<compile_context>
chip_gen: v7x
topology: tpu7x:2x2x1
jax: 0.10.2.dev20260603
libtpu: 0.0.44.dev20260713+nightly
codegen_flags: <defaults>
</compile_context>

<pallas_src>
import functools

import jax
import jax.numpy as jnp
from jax import lax
from jax.experimental import pallas as pl
from jax.experimental.pallas import tpu as pltpu
from jax.experimental.pallas import tpu_sc as plsc

NC = 2
NS = 16
NW = NC * NS
HB = 256
L = 16


def _emb_body(brows_per_w, ids_hbm, table_hbm, out_hbm,
              idsraw, idst, rows0, rows1,
              isem, gsem0, gsem1, osem0, osem1):
    wid = lax.axis_index("s") * NC + lax.axis_index("c")
    hist, batch, embed = out_hbm.shape
    wbase = wid * brows_per_w
    nhb = brows_per_w // HB

    lane = lax.iota(jnp.int32, L)

    def load_ids(hb):
        b0 = pl.multiple_of((wbase + hb * HB) * hist, HB * hist)
        return pltpu.make_async_copy(
            ids_hbm.at[pl.ds(b0, HB * hist)], idsraw, isem)

    def transpose_ids():
        def h_body(h, carry):
            def c_body(c, carry2):
                src = (c * L + lane) * hist + h
                vals = plsc.load_gather(idsraw, [src])
                idst[pl.ds(h * HB + c * L, L)] = vals
                return carry2
            return lax.fori_loop(0, HB // L, c_body, carry, unroll=4)
        lax.fori_loop(0, hist, h_body, 0, unroll=False)

    def gat(h, buf, sem):
        return pltpu.make_async_copy(
            table_hbm.at[idst.at[pl.ds(h * HB, HB)]], buf, sem)

    def out_copy(hb, h, buf, sem):
        b0 = pl.multiple_of(wbase + hb * HB, HB)
        return pltpu.make_async_copy(
            buf, out_hbm.at[h, pl.ds(b0, HB)], sem)

    def half_block(hb):
        load_ids(hb).wait()
        transpose_ids()

        gat(0, rows0, gsem0).start()
        gat(1, rows1, gsem1).start()
        gat(0, rows0, gsem0).wait()
        out_copy(hb, 0, rows0, osem0).start()
        gat(1, rows1, gsem1).wait()
        out_copy(hb, 1, rows1, osem1).start()

        def body(h2, carry):
            h = 2 * h2
            out_copy(hb, h - 2, rows0, osem0).wait()
            gat(h, rows0, gsem0).start()
            out_copy(hb, h - 1, rows1, osem1).wait()
            gat(h + 1, rows1, gsem1).start()
            gat(h, rows0, gsem0).wait()
            out_copy(hb, h, rows0, osem0).start()
            gat(h + 1, rows1, gsem1).wait()
            out_copy(hb, h + 1, rows1, osem1).start()
            return carry

        lax.fori_loop(1, hist // 2, body, 0, unroll=False)
        out_copy(hb, hist - 2, rows0, osem0).wait()
        out_copy(hb, hist - 1, rows1, osem1).wait()

    load_ids(0).start()
    for hb in range(nhb):
        half_block(hb)
        if hb + 1 < nhb:
            load_ids(hb + 1).start()


def kernel(ids, weight):
    batch, hist = ids.shape
    vocab, embed = weight.shape
    assert batch % (NW * HB) == 0 and hist % 2 == 0 and HB % L == 0
    brows_per_w = batch // NW

    ids_flat = ids.reshape(batch * hist).astype(jnp.int32)

    mesh = plsc.VectorSubcoreMesh(core_axis_name="c", subcore_axis_name="s")
    emb = pl.kernel(
        functools.partial(_emb_body, brows_per_w),
        out_type=jax.ShapeDtypeStruct((hist, batch, embed), jnp.float32),
        mesh=mesh,
        scratch_types=[
            pltpu.VMEM((HB * hist,), jnp.int32),
            pltpu.VMEM((hist * HB,), jnp.int32),
            pltpu.VMEM((HB, embed), jnp.float32),
            pltpu.VMEM((HB, embed), jnp.float32),
            pltpu.SemaphoreType.DMA,
            pltpu.SemaphoreType.DMA,
            pltpu.SemaphoreType.DMA,
            pltpu.SemaphoreType.DMA,
            pltpu.SemaphoreType.DMA,
        ],
        compiler_params=pltpu.CompilerParams(
            use_tc_tiling_on_sc=False, needs_layout_passes=False),
    )
    out_l = emb(ids_flat, weight)
    return out_l.transpose(1, 0, 2)

# --- scband reference (transcript-rebuilt; emitter-appended) ---
"""Pipeline reference for scband-embedding-5325759447241 (READ-ONLY COPY).

The authoritative reference and input builder live on the scoring server;
editing this copy changes nothing except your own understanding.
"""

import jax, jax.numpy as jnp
import numpy as np

VOCAB = 1000000
EMBED = 32
BATCH = 16384
HIST = 200


def setup_inputs(seed: int = 0) -> dict:
    key = jax.random.key(seed)
    k_ids, k_w = jax.random.split(key)
    ids = jax.random.randint(k_ids, (BATCH, HIST), 0, VOCAB, dtype=jnp.int64 if jax.config.jax_enable_x64 else jnp.int32)
    weight = jax.random.normal(k_w, (VOCAB, EMBED), dtype=jnp.float32)
    return {"ids": ids, "weight": weight}


def reference(ids, weight):
    # Faithful translation of Embedding.forward: self.weight[ids]
    return jnp.take(weight, ids, axis=0)

if __name__ == "__main__":
    import jax
    _d = setup_inputs()
    print(jax.jit(kernel)(*tuple(_d.values())))

</pallas_src>

<mosaic_0001>
#map = affine_map<(d0, d1) -> (0)>
#map1 = affine_map<(d0, d1) -> (0, 0)>
#map2 = affine_map<(d0, d1) -> (0, 0, 0)>
module attributes {stable_mosaic.version = 14 : i64} {
  func.func @_emb_body(%arg0: i32, %arg1: i32, %arg2: memref<3276800xi32, #tpu.memory_space<hbm>>, %arg3: memref<1000000x32xf32, #tpu.memory_space<hbm>>, %arg4: memref<200x16384x32xf32, #tpu.memory_space<hbm>>, %arg5: memref<51200xi32, #tpu.memory_space<vmem>>, %arg6: memref<51200xi32, #tpu.memory_space<vmem>>, %arg7: memref<256x32xf32, #tpu.memory_space<vmem>>, %arg8: memref<256x32xf32, #tpu.memory_space<vmem>>, %arg9: memref<!tpu.dma_semaphore, #tpu.memory_space<semaphore_mem>>, %arg10: memref<!tpu.dma_semaphore, #tpu.memory_space<semaphore_mem>>, %arg11: memref<!tpu.dma_semaphore, #tpu.memory_space<semaphore_mem>>, %arg12: memref<!tpu.dma_semaphore, #tpu.memory_space<semaphore_mem>>, %arg13: memref<!tpu.dma_semaphore, #tpu.memory_space<semaphore_mem>>) attributes {dimension_semantics = [#tpu.dimension_semantics<core_parallel>, #tpu.dimension_semantics<subcore_parallel>], iteration_bounds = array<i64: 2, 16>, scalar_prefetch = 0 : i64, scratch_operands = 9 : i64, tpu.core_type = #tpu.core_type<sc_vector_subcore>, window_params = [{transform_indices = #map}, {transform_indices = #map1}, {transform_indices = #map2}]} {
    %mul3A = arith.constant 2 : i32
    %mul3A_0 = arith.muli %arg1, %mul3A : i32
    %add3A = arith.addi %mul3A_0, %arg0 : i32
    %mul3A_1 = arith.constant 512 : i32
    %mul3A_2 = arith.muli %add3A, %mul3A_1 : i32
    %iota3A = tpu.iota {dimensions = array<i32: 0>} : vector<16xi32>
    %add3A_3 = arith.constant 0 : i32
    %add3A_4 = arith.addi %mul3A_2, %add3A_3 : i32
    %mul3A_5 = arith.constant 200 : i32
    %mul3A_6 = arith.muli %add3A_4, %mul3A_5 : i32
    %multiple_of3A = tpu.assume_multiple %mul3A_6, 51200 : i32
    %dma_start3A = tpu.memref_slice %arg2[%multiple_of3A] : memref<3276800xi32, #tpu.memory_space<hbm>> -> memref<51200xi32, #tpu.memory_space<hbm>>
    %dma_start3A_7 = tpu.memref_slice %arg2[%multiple_of3A] : memref<3276800xi32, #tpu.memory_space<hbm>> -> memref<51200xi32, #tpu.memory_space<hbm>>
    tpu.enqueue_dma source(%dma_start3A_7 : memref<51200xi32, #tpu.memory_space<hbm>>) target(%arg5 : memref<51200xi32, #tpu.memory_space<vmem>>) target_semaphore(%arg9 : memref<!tpu.dma_semaphore, #tpu.memory_space<semaphore_mem>>)
    %add3A_8 = arith.constant 0 : i32
    %add3A_9 = arith.addi %mul3A_2, %add3A_8 : i32
    %mul3A_10 = arith.constant 200 : i32
    %mul3A_11 = arith.muli %add3A_9, %mul3A_10 : i32
    %multiple_of3A_12 = tpu.assume_multiple %mul3A_11, 51200 : i32
    %dma_wait3A = tpu.memref_slice %arg2[%multiple_of3A_12] : memref<3276800xi32, #tpu.memory_space<hbm>> -> memref<51200xi32, #tpu.memory_space<hbm>>
    %dma_wait3A_13 = tpu.memref_slice %arg2[%multiple_of3A_12] : memref<3276800xi32, #tpu.memory_space<hbm>> -> memref<51200xi32, #tpu.memory_space<hbm>>
    tpu.wait_dma2 semaphore(%arg9 : memref<!tpu.dma_semaphore, #tpu.memory_space<semaphore_mem>>) src(%dma_wait3A_13 : memref<51200xi32, #tpu.memory_space<hbm>>) dst(%arg5 : memref<51200xi32, #tpu.memory_space<vmem>>)
    %scan3A = arith.constant 0 : i32
    %scan3A_14 = arith.constant 0 : i32
    %scan3A_15 = arith.constant 200 : i32
    %scan3A_16 = arith.addi %scan3A_14, %scan3A_15 : i32
    %scan3A_17 = arith.constant 1 : i32
    scf.for %scan3A_171 = %scan3A_14 to %scan3A_16 step %scan3A_17  : i32 {
      %scan3A_172 = arith.constant 0 : i32
      %scan3A_173 = arith.constant 16 : i32
      %scan3A_174 = arith.addi %scan3A_172, %scan3A_173 : i32
      %scan3A_175 = arith.constant 4 : i32
      scf.for %scan3A_177 = %scan3A_172 to %scan3A_174 step %scan3A_175  : i32 {
        %mul3A_178 = arith.constant 16 : i32
        %mul3A_179 = arith.muli %scan3A_177, %mul3A_178 : i32
        %add3A_180 = vector.broadcast %mul3A_179 : i32 to vector<16xi32>
        %add3A_181 = arith.addi %add3A_180, %iota3A : vector<16xi32>
        %mul3A_182 = arith.constant 200 : i32
        %mul3A_183 = vector.broadcast %mul3A_182 : i32 to vector<16xi32>
        %mul3A_184 = arith.muli %add3A_181, %mul3A_183 : vector<16xi32>
        %add3A_185 = vector.broadcast %scan3A_171 : i32 to vector<16xi32>
        %add3A_186 = arith.addi %mul3A_184, %add3A_185 : vector<16xi32>
        %gather3A = tpu.vector_load_idx %arg5[%add3A_186] : memref<51200xi32, #tpu.memory_space<vmem>>[vector<16xi32>], vector<16xi32>,
        %mul3A_187 = arith.constant 256 : i32
        %mul3A_188 = arith.muli %scan3A_171, %mul3A_187 : i32
        %mul3A_189 = arith.constant 16 : i32
        %mul3A_190 = arith.muli %scan3A_177, %mul3A_189 : i32
        %add3A_191 = arith.addi %mul3A_188, %mul3A_190 : i32
        %swap3A = arith.index_cast %add3A_191 : i32 to index
        %swap3A_192 = tpu.vector_load %arg6[%swap3A] {strides = array<i32>} : memref<51200xi32, #tpu.memory_space<vmem>>, vector<16xi32>,
        tpu.vector_store %arg6[%swap3A], %gather3A {strides = array<i32>} : memref<51200xi32, #tpu.memory_space<vmem>>, vector<16xi32>,
        %scan3A_193 = arith.constant 1 : i32
        %scan3A_194 = arith.addi %scan3A_177, %scan3A_193 : i32
        %mul3A_195 = arith.constant 16 : i32
        %mul3A_196 = arith.muli %scan3A_194, %mul3A_195 : i32
        %add3A_197 = vector.broadcast %mul3A_196 : i32 to vector<16xi32>
        %add3A_198 = arith.addi %add3A_197, %iota3A : vector<16xi32>
        %mul3A_199 = arith.constant 200 : i32
        %mul3A_200 = vector.broadcast %mul3A_199 : i32 to vector<16xi32>
        %mul3A_201 = arith.muli %add3A_198, %mul3A_200 : vector<16xi32>
        %add3A_202 = vector.broadcast %scan3A_171 : i32 to vector<16xi32>
        %add3A_203 = arith.addi %mul3A_201, %add3A_202 : vector<16xi32>
        %gather3A_204 = tpu.vector_load_idx %arg5[%add3A_203] : memref<51200xi32, #tpu.memory_space<vmem>>[vector<16xi32>], vector<16xi32>,
        %mul3A_205 = arith.constant 256 : i32
        %mul3A_206 = arith.muli %scan3A_171, %mul3A_205 : i32
        %mul3A_207 = arith.constant 16 : i32
        %mul3A_208 = arith.muli %scan3A_194, %mul3A_207 : i32
        %add3A_209 = arith.addi %mul3A_206, %mul3A_208 : i32
        %swap3A_210 = arith.index_cast %add3A_209 : i32 to index
        %swap3A_211 = tpu.vector_load %arg6[%swap3A_210] {strides = array<i32>} : memref<51200xi32, #tpu.memory_space<vmem>>, vector<16xi32>,
        tpu.vector_store %arg6[%swap3A_210], %gather3A_204 {strides = array<i32>} : memref<51200xi32, #tpu.memory_space<vmem>>, vector<16xi32>,
        %scan3A_212 = arith.constant 2 : i32
        %scan3A_213 = arith.addi %scan3A_177, %scan3A_212 : i32
        %mul3A_214 = arith.constant 16 : i32
        %mul3A_215 = arith.muli %scan3A_213, %mul3A_214 : i32
        %add3A_216 = vector.broadcast %mul3A_215 : i32 to vector<16xi32>
        %add3A_217 = arith.addi %add3A_216, %iota3A : vector<16xi32>
        %mul3A_218 = arith.constant 200 : i32
        %mul3A_219 = vector.broadcast %mul3A_218 : i32 to vector<16xi32>
        %mul3A_220 = arith.muli %add3A_217, %mul3A_219 : vector<16xi32>
        %add3A_221 = vector.broadcast %scan3A_171 : i32 to vector<16xi32>
        %add3A_222 = arith.addi %mul3A_220, %add3A_221 : vector<16xi32>
        %gather3A_223 = tpu.vector_load_idx %arg5[%add3A_222] : memref<51200xi32, #tpu.memory_space<vmem>>[vector<16xi32>], vector<16xi32>,
        %mul3A_224 = arith.constant 256 : i32
        %mul3A_225 = arith.muli %scan3A_171, %mul3A_224 : i32
        %mul3A_226 = arith.constant 16 : i32
        %mul3A_227 = arith.muli %scan3A_213, %mul3A_226 : i32
        %add3A_228 = arith.addi %mul3A_225, %mul3A_227 : i32
        %swap3A_229 = arith.index_cast %add3A_228 : i32 to index
        %swap3A_230 = tpu.vector_load %arg6[%swap3A_229] {strides = array<i32>} : memref<51200xi32, #tpu.memory_space<vmem>>, vector<16xi32>,
        tpu.vector_store %arg6[%swap3A_229], %gather3A_223 {strides = array<i32>} : memref<51200xi32, #tpu.memory_space<vmem>>, vector<16xi32>,
        %scan3A_231 = arith.constant 3 : i32
        %scan3A_232 = arith.addi %scan3A_177, %scan3A_231 : i32
        %mul3A_233 = arith.constant 16 : i32
        %mul3A_234 = arith.muli %scan3A_232, %mul3A_233 : i32
        %add3A_235 = vector.broadcast %mul3A_234 : i32 to vector<16xi32>
        %add3A_236 = arith.addi %add3A_235, %iota3A : vector<16xi32>
        %mul3A_237 = arith.constant 200 : i32
        %mul3A_238 = vector.broadcast %mul3A_237 : i32 to vector<16xi32>
        %mul3A_239 = arith.muli %add3A_236, %mul3A_238 : vector<16xi32>
        %add3A_240 = vector.broadcast %scan3A_171 : i32 to vector<16xi32>
        %add3A_241 = arith.addi %mul3A_239, %add3A_240 : vector<16xi32>
        %gather3A_242 = tpu.vector_load_idx %arg5[%add3A_241] : memref<51200xi32, #tpu.memory_space<vmem>>[vector<16xi32>], vector<16xi32>,
        %mul3A_243 = arith.constant 256 : i32
        %mul3A_244 = arith.muli %scan3A_171, %mul3A_243 : i32
        %mul3A_245 = arith.constant 16 : i32
        %mul3A_246 = arith.muli %scan3A_232, %mul3A_245 : i32
        %add3A_247 = arith.addi %mul3A_244, %mul3A_246 : i32
        %swap3A_248 = arith.index_cast %add3A_247 : i32 to index
        %swap3A_249 = tpu.vector_load %arg6[%swap3A_248] {strides = array<i32>} : memref<51200xi32, #tpu.memory_space<vmem>>, vector<16xi32>,
        tpu.vector_store %arg6[%swap3A_248], %gather3A_242 {strides = array<i32>} : memref<51200xi32, #tpu.memory_space<vmem>>, vector<16xi32>,
      }
      %scan3A_176 = arith.constant 16 : i32
    }
    %scan3A_18 = arith.constant 200 : i32
    %dma_start3A_19 = arith.constant 0 : i32
    %dma_start3A_20 = tpu.memref_slice %arg6[%dma_start3A_19] : memref<51200xi32, #tpu.memory_space<vmem>> -> memref<256xi32, #tpu.memory_space<vmem>>
    %dma_start3A_21 = arith.constant 0 : i32
    %dma_start3A_22 = arith.constant 0 : i32
    %dma_start3A_23 = tpu.memref_slice %arg3[%dma_start3A_21, %dma_start3A_22] : memref<1000000x32xf32, #tpu.memory_space<hbm>> -> memref<1000000x32xf32, #tpu.memory_space<hbm>>
    tpu.enqueue_indirect_dma source(%dma_start3A_23 : memref<1000000x32xf32, #tpu.memory_space<hbm>>) target(%arg7 : memref<256x32xf32, #tpu.memory_space<vmem>>) offsets(%dma_start3A_20 : memref<256xi32, #tpu.memory_space<vmem>>) semaphore(%arg10 : memref<!tpu.dma_semaphore, #tpu.memory_space<semaphore_mem>>)
    %dma_start3A_24 = arith.constant 256 : i32
    %dma_start3A_25 = tpu.memref_slice %arg6[%dma_start3A_24] : memref<51200xi32, #tpu.memory_space<vmem>> -> memref<256xi32, #tpu.memory_space<vmem>>
    %dma_start3A_26 = arith.constant 0 : i32
    %dma_start3A_27 = arith.constant 0 : i32
    %dma_start3A_28 = tpu.memref_slice %arg3[%dma_start3A_26, %dma_start3A_27] : memref<1000000x32xf32, #tpu.memory_space<hbm>> -> memref<1000000x32xf32, #tpu.memory_space<hbm>>
    tpu.enqueue_indirect_dma source(%dma_start3A_28 : memref<1000000x32xf32, #tpu.memory_space<hbm>>) target(%arg8 : memref<256x32xf32, #tpu.memory_space<vmem>>) offsets(%dma_start3A_25 : memref<256xi32, #tpu.memory_space<vmem>>) semaphore(%arg11 : memref<!tpu.dma_semaphore, #tpu.memory_space<semaphore_mem>>)
    %dma_wait3A_29 = arith.constant 0 : i32
    %dma_wait3A_30 = tpu.memref_slice %arg6[%dma_wait3A_29] : memref<51200xi32, #tpu.memory_space<vmem>> -> memref<256xi32, #tpu.memory_space<vmem>>
    %dma_wait3A_31 = arith.constant 0 : i32
    %dma_wait3A_32 = arith.constant 0 : i32
    %dma_wait3A_33 = tpu.memref_slice %arg3[%dma_wait3A_31, %dma_wait3A_32] : memref<1000000x32xf32, #tpu.memory_space<hbm>> -> memref<1000000x32xf32, #tpu.memory_space<hbm>>
    tpu.wait_indirect_dma semaphore(%arg10 : memref<!tpu.dma_semaphore, #tpu.memory_space<semaphore_mem>>) src(%dma_wait3A_33 : memref<1000000x32xf32, #tpu.memory_space<hbm>>) dst(%arg7 : memref<256x32xf32, #tpu.memory_space<vmem>>)
    %add3A_34 = arith.constant 0 : i32
    %add3A_35 = arith.addi %mul3A_2, %add3A_34 : i32
    %multiple_of3A_36 = tpu.assume_multiple %add3A_35, 256 : i32
    %dma_start3A_37 = arith.constant 0 : i32
    %dma_start3A_38 = arith.constant 0 : i32
    %dma_start3A_39 = tpu.memref_slice %arg4[%dma_start3A_37, %multiple_of3A_36, %dma_start3A_38] : memref<200x16384x32xf32, #tpu.memory_space<hbm>> -> memref<1x256x32xf32, #tpu.memory_space<hbm>>
    %dma_start3A_40 = tpu.memref_squeeze %dma_start3A_39 : memref<1x256x32xf32, #tpu.memory_space<hbm>> -> memref<256x32xf32, #tpu.memory_space<hbm>>
    %dma_start3A_41 = arith.constant 0 : i32
    %dma_start3A_42 = tpu.memref_slice %arg4[%dma_start3A_37, %multiple_of3A_36, %dma_start3A_41] : memref<200x16384x32xf32, #tpu.memory_space<hbm>> -> memref<1x256x32xf32, #tpu.memory_space<hbm>>
    %dma_start3A_43 = tpu.memref_squeeze %dma_start3A_42 : memref<1x256x32xf32, #tpu.memory_space<hbm>> -> memref<256x32xf32, #tpu.memory_space<hbm>>
    tpu.enqueue_dma source(%arg7 : memref<256x32xf32, #tpu.memory_space<vmem>>) target(%dma_start3A_43 : memref<256x32xf32, #tpu.memory_space<hbm>>) target_semaphore(%arg12 : memref<!tpu.dma_semaphore, #tpu.memory_space<semaphore_mem>>)
    %dma_wait3A_44 = arith.constant 256 : i32
    %dma_wait3A_45 = tpu.memref_slice %arg6[%dma_wait3A_44] : memref<51200xi32, #tpu.memory_space<vmem>> -> memref<256xi32, #tpu.memory_space<vmem>>
    %dma_wait3A_46 = arith.constant 0 : i32
    %dma_wait3A_47 = arith.constant 0 : i32
    %dma_wait3A_48 = tpu.memref_slice %arg3[%dma_wait3A_46, %dma_wait3A_47] : memref<1000000x32xf32, #tpu.memory_space<hbm>> -> memref<1000000x32xf32, #tpu.memory_space<hbm>>
    tpu.wait_indirect_dma semaphore(%arg11 : memref<!tpu.dma_semaphore, #tpu.memory_space<semaphore_mem>>) src(%dma_wait3A_48 : memref<1000000x32xf32, #tpu.memory_space<hbm>>) dst(%arg8 : memref<256x32xf32, #tpu.memory_space<vmem>>)
    %add3A_49 = arith.constant 0 : i32
    %add3A_50 = arith.addi %mul3A_2, %add3A_49 : i32
    %multiple_of3A_51 = tpu.assume_multiple %add3A_50, 256 : i32
    %dma_start3A_52 = arith.constant 1 : i32
    %dma_start3A_53 = arith.constant 0 : i32
    %dma_start3A_54 = tpu.memref_slice %arg4[%dma_start3A_52, %multiple_of3A_51, %dma_start3A_53] : memref<200x16384x32xf32, #tpu.memory_space<hbm>> -> memref<1x256x32xf32, #tpu.memory_space<hbm>>
    %dma_start3A_55 = tpu.memref_squeeze %dma_start3A_54 : memref<1x256x32xf32, #tpu.memory_space<hbm>> -> memref<256x32xf32, #tpu.memory_space<hbm>>
    %dma_start3A_56 = arith.constant 0 : i32
    %dma_start3A_57 = tpu.memref_slice %arg4[%dma_start3A_52, %multiple_of3A_51, %dma_start3A_56] : memref<200x16384x32xf32, #tpu.memory_space<hbm>> -> memref<1x256x32xf32, #tpu.memory_space<hbm>>
    %dma_start3A_58 = tpu.memref_squeeze %dma_start3A_57 : memref<1x256x32xf32, #tpu.memory_space<hbm>> -> memref<256x32xf32, #tpu.memory_space<hbm>>
    tpu.enqueue_dma source(%arg8 : memref<256x32xf32, #tpu.memory_space<vmem>>) target(%dma_start3A_58 : memref<256x32xf32, #tpu.memory_space<hbm>>) target_semaphore(%arg13 : memref<!tpu.dma_semaphore, #tpu.memory_space<semaphore_mem>>)
    %scan3A_59 = arith.constant 0 : i32
    %scan3A_60 = arith.constant 1 : i32
    %scan3A_61 = arith.constant 99 : i32
    %scan3A_62 = arith.addi %scan3A_60, %scan3A_61 : i32
    %scan3A_63 = arith.constant 1 : i32
    scf.for %scan3A_171 = %scan3A_60 to %scan3A_62 step %scan3A_63  : i32 {
      %mul3A_172 = arith.constant 2 : i32
      %mul3A_173 = arith.muli %mul3A_172, %scan3A_171 : i32
      %sub3A = arith.constant 2 : i32
      %sub3A_174 = arith.subi %mul3A_173, %sub3A : i32
      %add3A_175 = arith.constant 0 : i32
      %add3A_176 = arith.addi %mul3A_2, %add3A_175 : i32
      %multiple_of3A_177 = tpu.assume_multiple %add3A_176, 256 : i32
      %dma_wait3A_178 = arith.constant 0 : i32
      %dma_wait3A_179 = tpu.memref_slice %arg4[%sub3A_174, %multiple_of3A_177, %dma_wait3A_178] : memref<200x16384x32xf32, #tpu.memory_space<hbm>> -> memref<1x256x32xf32, #tpu.memory_space<hbm>>
      %dma_wait3A_180 = tpu.memref_squeeze %dma_wait3A_179 : memref<1x256x32xf32, #tpu.memory_space<hbm>> -> memref<256x32xf32, #tpu.memory_space<hbm>>
      %dma_wait3A_181 = arith.constant 0 : i32
      %dma_wait3A_182 = tpu.memref_slice %arg4[%sub3A_174, %multiple_of3A_177, %dma_wait3A_181] : memref<200x16384x32xf32, #tpu.memory_space<hbm>> -> memref<1x256x32xf32, #tpu.memory_space<hbm>>
      %dma_wait3A_183 = tpu.memref_squeeze %dma_wait3A_182 : memref<1x256x32xf32, #tpu.memory_space<hbm>> -> memref<256x32xf32, #tpu.memory_space<hbm>>
      tpu.wait_dma2 semaphore(%arg12 : memref<!tpu.dma_semaphore, #tpu.memory_space<semaphore_mem>>) src(%arg7 : memref<256x32xf32, #tpu.memory_space<vmem>>) dst(%dma_wait3A_183 : memref<256x32xf32, #tpu.memory_space<hbm>>)
      %mul3A_184 = arith.constant 256 : i32
      %mul3A_185 = arith.muli %mul3A_173, %mul3A_184 : i32
      %dma_start3A_186 = tpu.memref_slice %arg6[%mul3A_185] : memref<51200xi32, #tpu.memory_space<vmem>> -> memref<256xi32, #tpu.memory_space<vmem>>
      %dma_start3A_187 = arith.constant 0 : i32
      %dma_start3A_188 = arith.constant 0 : i32
      %dma_start3A_189 = tpu.memref_slice %arg3[%dma_start3A_187, %dma_start3A_188] : memref<1000000x32xf32, #tpu.memory_space<hbm>> -> memref<1000000x32xf32, #tpu.memory_space<hbm>>
      tpu.enqueue_indirect_dma source(%dma_start3A_189 : memref<1000000x32xf32, #tpu.memory_space<hbm>>) target(%arg7 : memref<256x32xf32, #tpu.memory_space<vmem>>) offsets(%dma_start3A_186 : memref<256xi32, #tpu.memory_space<vmem>>) semaphore(%arg10 : memref<!tpu.dma_semaphore, #tpu.memory_space<semaphore_mem>>)
      %sub3A_190 = arith.constant 1 : i32
      %sub3A_191 = arith.subi %mul3A_173, %sub3A_190 : i32
      %add3A_192 = arith.constant 0 : i32
      %add3A_193 = arith.addi %mul3A_2, %add3A_192 : i32
      %multiple_of3A_194 = tpu.assume_multiple %add3A_193, 256 : i32
      %dma_wait3A_195 = arith.constant 0 : i32
      %dma_wait3A_196 = tpu.memref_slice %arg4[%sub3A_191, %multiple_of3A_194, %dma_wait3A_195] : memref<200x16384x32xf32, #tpu.memory_space<hbm>> -> memref<1x256x32xf32, #tpu.memory_space<hbm>>
      %dma_wait3A_197 = tpu.memref_squeeze %dma_wait3A_196 : memref<1x256x32xf32, #tpu.memory_space<hbm>> -> memref<256x32xf32, #tpu.memory_space<hbm>>
      %dma_wait3A_198 = arith.constant 0 : i32
      %dma_wait3A_199 = tpu.memref_slice %arg4[%sub3A_191, %multiple_of3A_194, %dma_wait3A_198] : memref<200x16384x32xf32, #tpu.memory_space<hbm>> -> memref<1x256x32xf32, #tpu.memory_space<hbm>>
      %dma_wait3A_200 = tpu.memref_squeeze %dma_wait3A_199 : memref<1x256x32xf32, #tpu.memory_space<hbm>> -> memref<256x32xf32, #tpu.memory_space<hbm>>
      tpu.wait_dma2 semaphore(%arg13 : memref<!tpu.dma_semaphore, #tpu.memory_space<semaphore_mem>>) src(%arg8 : memref<256x32xf32, #tpu.memory_space<vmem>>) dst(%dma_wait3A_200 : memref<256x32xf32, #tpu.memory_space<hbm>>)
      %add3A_201 = arith.constant 1 : i32
      %add3A_202 = arith.addi %mul3A_173, %add3A_201 : i32
      %mul3A_203 = arith.constant 256 : i32
      %mul3A_204 = arith.muli %add3A_202, %mul3A_203 : i32
      %dma_start3A_205 = tpu.memref_slice %arg6[%mul3A_204] : memref<51200xi32, #tpu.memory_space<vmem>> -> memref<256xi32, #tpu.memory_space<vmem>>
      %dma_start3A_206 = arith.constant 0 : i32
      %dma_start3A_207 = arith.constant 0 : i32
      %dma_start3A_208 = tpu.memref_slice %arg3[%dma_start3A_206, %dma_start3A_207] : memref<1000000x32xf32, #tpu.memory_space<hbm>> -> memref<1000000x32xf32, #tpu.memory_space<hbm>>
      tpu.enqueue_indirect_dma source(%dma_start3A_208 : memref<1000000x32xf32, #tpu.memory_space<hbm>>) target(%arg8 : memref<256x32xf32, #tpu.memory_space<vmem>>) offsets(%dma_start3A_205 : memref<256xi32, #tpu.memory_space<vmem>>) semaphore(%arg11 : memref<!tpu.dma_semaphore, #tpu.memory_space<semaphore_mem>>)
      %mul3A_209 = arith.constant 256 : i32
      %mul3A_210 = arith.muli %mul3A_173, %mul3A_209 : i32
      %dma_wait3A_211 = tpu.memref_slice %arg6[%mul3A_210] : memref<51200xi32, #tpu.memory_space<vmem>> -> memref<256xi32, #tpu.memory_space<vmem>>
      %dma_wait3A_212 = arith.constant 0 : i32
      %dma_wait3A_213 = arith.constant 0 : i32
      %dma_wait3A_214 = tpu.memref_slice %arg3[%dma_wait3A_212, %dma_wait3A_213] : memref<1000000x32xf32, #tpu.memory_space<hbm>> -> memref<1000000x32xf32, #tpu.memory_space<hbm>>
      tpu.wait_indirect_dma semaphore(%arg10 : memref<!tpu.dma_semaphore, #tpu.memory_space<semaphore_mem>>) src(%dma_wait3A_214 : memref<1000000x32xf32, #tpu.memory_space<hbm>>) dst(%arg7 : memref<256x32xf32, #tpu.memory_space<vmem>>)
      %add3A_215 = arith.constant 0 : i32
      %add3A_216 = arith.addi %mul3A_2, %add3A_215 : i32
      %multiple_of3A_217 = tpu.assume_multiple %add3A_216, 256 : i32
      %dma_start3A_218 = arith.constant 0 : i32
      %dma_start3A_219 = tpu.memref_slice %arg4[%mul3A_173, %multiple_of3A_217, %dma_start3A_218] : memref<200x16384x32xf32, #tpu.memory_space<hbm>> -> memref<1x256x32xf32, #tpu.memory_space<hbm>>
      %dma_start3A_220 = tpu.memref_squeeze %dma_start3A_219 : memref<1x256x32xf32, #tpu.memory_space<hbm>> -> memref<256x32xf32, #tpu.memory_space<hbm>>
      %dma_start3A_221 = arith.constant 0 : i32
      %dma_start3A_222 = tpu.memref_slice %arg4[%mul3A_173, %multiple_of3A_217, %dma_start3A_221] : memref<200x16384x32xf32, #tpu.memory_space<hbm>> -> memref<1x256x32xf32, #tpu.memory_space<hbm>>
      %dma_start3A_223 = tpu.memref_squeeze %dma_start3A_222 : memref<1x256x32xf32, #tpu.memory_space<hbm>> -> memref<256x32xf32, #tpu.memory_space<hbm>>
      tpu.enqueue_dma source(%arg7 : memref<256x32xf32, #tpu.memory_space<vmem>>) target(%dma_start3A_223 : memref<256x32xf32, #tpu.memory_space<hbm>>) target_semaphore(%arg12 : memref<!tpu.dma_semaphore, #tpu.memory_space<semaphore_mem>>)
      %add3A_224 = arith.constant 1 : i32
      %add3A_225 = arith.addi %mul3A_173, %add3A_224 : i32
      %mul3A_226 = arith.constant 256 : i32
      %mul3A_227 = arith.muli %add3A_225, %mul3A_226 : i32
      %dma_wait3A_228 = tpu.memref_slice %arg6[%mul3A_227] : memref<51200xi32, #tpu.memory_space<vmem>> -> memref<256xi32, #tpu.memory_space<vmem>>
      %dma_wait3A_229 = arith.constant 0 : i32
      %dma_wait3A_230 = arith.constant 0 : i32
      %dma_wait3A_231 = tpu.memref_slice %arg3[%dma_wait3A_229, %dma_wait3A_230] : memref<1000000x32xf32, #tpu.memory_space<hbm>> -> memref<1000000x32xf32, #tpu.memory_space<hbm>>
      tpu.wait_indirect_dma semaphore(%arg11 : memref<!tpu.dma_semaphore, #tpu.memory_space<semaphore_mem>>) src(%dma_wait3A_231 : memref<1000000x32xf32, #tpu.memory_space<hbm>>) dst(%arg8 : memref<256x32xf32, #tpu.memory_space<vmem>>)
      %add3A_232 = arith.constant 1 : i32
      %add3A_233 = arith.addi %mul3A_173, %add3A_232 : i32
      %add3A_234 = arith.constant 0 : i32
      %add3A_235 = arith.addi %mul3A_2, %add3A_234 : i32
      %multiple_of3A_236 = tpu.assume_multiple %add3A_235, 256 : i32
      %dma_start3A_237 = arith.constant 0 : i32
      %dma_start3A_238 = tpu.memref_slice %arg4[%add3A_233, %multiple_of3A_236, %dma_start3A_237] : memref<200x16384x32xf32, #tpu.memory_space<hbm>> -> memref<1x256x32xf32, #tpu.memory_space<hbm>>
      %dma_start3A_239 = tpu.memref_squeeze %dma_start3A_238 : memref<1x256x32xf32, #tpu.memory_space<hbm>> -> memref<256x32xf32, #tpu.memory_space<hbm>>
      %dma_start3A_240 = arith.constant 0 : i32
      %dma_start3A_241 = tpu.memref_slice %arg4[%add3A_233, %multiple_of3A_236, %dma_start3A_240] : memref<200x16384x32xf32, #tpu.memory_space<hbm>> -> memref<1x256x32xf32, #tpu.memory_space<hbm>>
      %dma_start3A_242 = tpu.memref_squeeze %dma_start3A_241 : memref<1x256x32xf32, #tpu.memory_space<hbm>> -> memref<256x32xf32, #tpu.memory_space<hbm>>
      tpu.enqueue_dma source(%arg8 : memref<256x32xf32, #tpu.memory_space<vmem>>) target(%dma_start3A_242 : memref<256x32xf32, #tpu.memory_space<hbm>>) target_semaphore(%arg13 : memref<!tpu.dma_semaphore, #tpu.memory_space<semaphore_mem>>)
    }
    %scan3A_64 = arith.constant 99 : i32
    %add3A_65 = arith.constant 0 : i32
    %add3A_66 = arith.addi %mul3A_2, %add3A_65 : i32
    %multiple_of3A_67 = tpu.assume_multiple %add3A_66, 256 : i32
    %dma_wait3A_68 = arith.constant 198 : i32
    %dma_wait3A_69 = arith.constant 0 : i32
    %dma_wait3A_70 = tpu.memref_slice %arg4[%dma_wait3A_68, %multiple_of3A_67, %dma_wait3A_69] : memref<200x16384x32xf32, #tpu.memory_space<hbm>> -> memref<1x256x32xf32, #tpu.memory_space<hbm>>
    %dma_wait3A_71 = tpu.memref_squeeze %dma_wait3A_70 : memref<1x256x32xf32, #tpu.memory_space<hbm>> -> memref<256x32xf32, #tpu.memory_space<hbm>>
    %dma_wait3A_72 = arith.constant 0 : i32
    %dma_wait3A_73 = tpu.memref_slice %arg4[%dma_wait3A_68, %multiple_of3A_67, %dma_wait3A_72] : memref<200x16384x32xf32, #tpu.memory_space<hbm>> -> memref<1x256x32xf32, #tpu.memory_space<hbm>>
    %dma_wait3A_74 = tpu.memref_squeeze %dma_wait3A_73 : memref<1x256x32xf32, #tpu.memory_space<hbm>> -> memref<256x32xf32, #tpu.memory_space<hbm>>
    tpu.wait_dma2 semaphore(%arg12 : memref<!tpu.dma_semaphore, #tpu.memory_space<semaphore_mem>>) src(%arg7 : memref<256x32xf32, #tpu.memory_space<vmem>>) dst(%dma_wait3A_74 : memref<256x32xf32, #tpu.memory_space<hbm>>)
    %add3A_75 = arith.constant 0 : i32
    %add3A_76 = arith.addi %mul3A_2, %add3A_75 : i32
    %multiple_of3A_77 = tpu.assume_multiple %add3A_76, 256 : i32
    %dma_wait3A_78 = arith.constant 199 : i32
    %dma_wait3A_79 = arith.constant 0 : i32
    %dma_wait3A_80 = tpu.memref_slice %arg4[%dma_wait3A_78, %multiple_of3A_77, %dma_wait3A_79] : memref<200x16384x32xf32, #tpu.memory_space<hbm>> -> memref<1x256x32xf32, #tpu.memory_space<hbm>>
    %dma_wait3A_81 = tpu.memref_squeeze %dma_wait3A_80 : memref<1x256x32xf32, #tpu.memory_space<hbm>> -> memref<256x32xf32, #tpu.memory_space<hbm>>
    %dma_wait3A_82 = arith.constant 0 : i32
    %dma_wait3A_83 = tpu.memref_slice %arg4[%dma_wait3A_78, %multiple_of3A_77, %dma_wait3A_82] : memref<200x16384x32xf32, #tpu.memory_space<hbm>> -> memref<1x256x32xf32, #tpu.memory_space<hbm>>
    %dma_wait3A_84 = tpu.memref_squeeze %dma_wait3A_83 : memref<1x256x32xf32, #tpu.memory_space<hbm>> -> memref<256x32xf32, #tpu.memory_space<hbm>>
    tpu.wait_dma2 semaphore(%arg13 : memref<!tpu.dma_semaphore, #tpu.memory_space<semaphore_mem>>) src(%arg8 : memref<256x32xf32, #tpu.memory_space<vmem>>) dst(%dma_wait3A_84 : memref<256x32xf32, #tpu.memory_space<hbm>>)
    %add3A_85 = arith.constant 256 : i32
    %add3A_86 = arith.addi %mul3A_2, %add3A_85 : i32
    %mul3A_87 = arith.constant 200 : i32
    %mul3A_88 = arith.muli %add3A_86, %mul3A_87 : i32
    %multiple_of3A_89 = tpu.assume_multiple %mul3A_88, 51200 : i32
    %dma_start3A_90 = tpu.memref_slice %arg2[%multiple_of3A_89] : memref<3276800xi32, #tpu.memory_space<hbm>> -> memref<51200xi32, #tpu.memory_space<hbm>>
    %dma_start3A_91 = tpu.memref_slice %arg2[%multiple_of3A_89] : memref<3276800xi32, #tpu.memory_space<hbm>> -> memref<51200xi32, #tpu.memory_space<hbm>>
    tpu.enqueue_dma source(%dma_start3A_91 : memref<51200xi32, #tpu.memory_space<hbm>>) target(%arg5 : memref<51200xi32, #tpu.memory_space<vmem>>) target_semaphore(%arg9 : memref<!tpu.dma_semaphore, #tpu.memory_space<semaphore_mem>>)
    %add3A_92 = arith.constant 256 : i32
    %add3A_93 = arith.addi %mul3A_2, %add3A_92 : i32
    %mul3A_94 = arith.constant 200 : i32
    %mul3A_95 = arith.muli %add3A_93, %mul3A_94 : i32
    %multiple_of3A_96 = tpu.assume_multiple %mul3A_95, 51200 : i32
    %dma_wait3A_97 = tpu.memref_slice %arg2[%multiple_of3A_96] : memref<3276800xi32, #tpu.memory_space<hbm>> -> memref<51200xi32, #tpu.memory_space<hbm>>
    %dma_wait3A_98 = tpu.memref_slice %arg2[%multiple_of3A_96] : memref<3276800xi32, #tpu.memory_space<hbm>> -> memref<51200xi32, #tpu.memory_space<hbm>>
    tpu.wait_dma2 semaphore(%arg9 : memref<!tpu.dma_semaphore, #tpu.memory_space<semaphore_mem>>) src(%dma_wait3A_98 : memref<51200xi32, #tpu.memory_space<hbm>>) dst(%arg5 : memref<51200xi32, #tpu.memory_space<vmem>>)
    %scan3A_99 = arith.constant 0 : i32
    %scan3A_100 = arith.constant 0 : i32
    %scan3A_101 = arith.constant 200 : i32
    %scan3A_102 = arith.addi %scan3A_100, %scan3A_101 : i32
    %scan3A_103 = arith.constant 1 : i32
    scf.for %scan3A_171 = %scan3A_100 to %scan3A_102 step %scan3A_103  : i32 {
      %scan3A_172 = arith.constant 0 : i32
      %scan3A_173 = arith.constant 16 : i32
      %scan3A_174 = arith.addi %scan3A_172, %scan3A_173 : i32
      %scan3A_175 = arith.constant 4 : i32
      scf.for %scan3A_177 = %scan3A_172 to %scan3A_174 step %scan3A_175  : i32 {
        %mul3A_178 = arith.constant 16 : i32
        %mul3A_179 = arith.muli %scan3A_177, %mul3A_178 : i32
        %add3A_180 = vector.broadcast %mul3A_179 : i32 to vector<16xi32>
        %add3A_181 = arith.addi %add3A_180, %iota3A : vector<16xi32>
        %mul3A_182 = arith.constant 200 : i32
        %mul3A_183 = vector.broadcast %mul3A_182 : i32 to vector<16xi32>
        %mul3A_184 = arith.muli %add3A_181, %mul3A_183 : vector<16xi32>
        %add3A_185 = vector.broadcast %scan3A_171 : i32 to vector<16xi32>
        %add3A_186 = arith.addi %mul3A_184, %add3A_185 : vector<16xi32>
        %gather3A = tpu.vector_load_idx %arg5[%add3A_186] : memref<51200xi32, #tpu.memory_space<vmem>>[vector<16xi32>], vector<16xi32>,
        %mul3A_187 = arith.constant 256 : i32
        %mul3A_188 = arith.muli %scan3A_171, %mul3A_187 : i32
        %mul3A_189 = arith.constant 16 : i32
        %mul3A_190 = arith.muli %scan3A_177, %mul3A_189 : i32
        %add3A_191 = arith.addi %mul3A_188, %mul3A_190 : i32
        %swap3A = arith.index_cast %add3A_191 : i32 to index
        %swap3A_192 = tpu.vector_load %arg6[%swap3A] {strides = array<i32>} : memref<51200xi32, #tpu.memory_space<vmem>>, vector<16xi32>,
        tpu.vector_store %arg6[%swap3A], %gather3A {strides = array<i32>} : memref<51200xi32, #tpu.memory_space<vmem>>, vector<16xi32>,
        %scan3A_193 = arith.constant 1 : i32
        %scan3A_194 = arith.addi %scan3A_177, %scan3A_193 : i32
        %mul3A_195 = arith.constant 16 : i32
        %mul3A_196 = arith.muli %scan3A_194, %mul3A_195 : i32
        %add3A_197 = vector.broadcast %mul3A_196 : i32 to vector<16xi32>
        %add3A_198 = arith.addi %add3A_197, %iota3A : vector<16xi32>
        %mul3A_199 = arith.constant 200 : i32
        %mul3A_200 = vector.broadcast %mul3A_199 : i32 to vector<16xi32>
        %mul3A_201 = arith.muli %add3A_198, %mul3A_200 : vector<16xi32>
        %add3A_202 = vector.broadcast %scan3A_171 : i32 to vector<16xi32>
        %add3A_203 = arith.addi %mul3A_201, %add3A_202 : vector<16xi32>
        %gather3A_204 = tpu.vector_load_idx %arg5[%add3A_203] : memref<51200xi32, #tpu.memory_space<vmem>>[vector<16xi32>], vector<16xi32>,
        %mul3A_205 = arith.constant 256 : i32
        %mul3A_206 = arith.muli %scan3A_171, %mul3A_205 : i32
        %mul3A_207 = arith.constant 16 : i32
        %mul3A_208 = arith.muli %scan3A_194, %mul3A_207 : i32
        %add3A_209 = arith.addi %mul3A_206, %mul3A_208 : i32
        %swap3A_210 = arith.index_cast %add3A_209 : i32 to index
        %swap3A_211 = tpu.vector_load %arg6[%swap3A_210] {strides = array<i32>} : memref<51200xi32, #tpu.memory_space<vmem>>, vector<16xi32>,
        tpu.vector_store %arg6[%swap3A_210], %gather3A_204 {strides = array<i32>} : memref<51200xi32, #tpu.memory_space<vmem>>, vector<16xi32>,
        %scan3A_212 = arith.constant 2 : i32
        %scan3A_213 = arith.addi %scan3A_177, %scan3A_212 : i32
        %mul3A_214 = arith.constant 16 : i32
        %mul3A_215 = arith.muli %scan3A_213, %mul3A_214 : i32
        %add3A_216 = vector.broadcast %mul3A_215 : i32 to vector<16xi32>
        %add3A_217 = arith.addi %add3A_216, %iota3A : vector<16xi32>
        %mul3A_218 = arith.constant 200 : i32
        %mul3A_219 = vector.broadcast %mul3A_218 : i32 to vector<16xi32>
        %mul3A_220 = arith.muli %add3A_217, %mul3A_219 : vector<16xi32>
        %add3A_221 = vector.broadcast %scan3A_171 : i32 to vector<16xi32>
        %add3A_222 = arith.addi %mul3A_220, %add3A_221 : vector<16xi32>
        %gather3A_223 = tpu.vector_load_idx %arg5[%add3A_222] : memref<51200xi32, #tpu.memory_space<vmem>>[vector<16xi32>], vector<16xi32>,
        %mul3A_224 = arith.constant 256 : i32
        %mul3A_225 = arith.muli %scan3A_171, %mul3A_224 : i32
        %mul3A_226 = arith.constant 16 : i32
        %mul3A_227 = arith.muli %scan3A_213, %mul3A_226 : i32
        %add3A_228 = arith.addi %mul3A_225, %mul3A_227 : i32
        %swap3A_229 = arith.index_cast %add3A_228 : i32 to index
        %swap3A_230 = tpu.vector_load %arg6[%swap3A_229] {strides = array<i32>} : memref<51200xi32, #tpu.memory_space<vmem>>, vector<16xi32>,
        tpu.vector_store %arg6[%swap3A_229], %gather3A_223 {strides = array<i32>} : memref<51200xi32, #tpu.memory_space<vmem>>, vector<16xi32>,
        %scan3A_231 = arith.constant 3 : i32
        %scan3A_232 = arith.addi %scan3A_177, %scan3A_231 : i32
        %mul3A_233 = arith.constant 16 : i32
        %mul3A_234 = arith.muli %scan3A_232, %mul3A_233 : i32
        %add3A_235 = vector.broadcast %mul3A_234 : i32 to vector<16xi32>
        %add3A_236 = arith.addi %add3A_235, %iota3A : vector<16xi32>
        %mul3A_237 = arith.constant 200 : i32
        %mul3A_238 = vector.broadcast %mul3A_237 : i32 to vector<16xi32>
        %mul3A_239 = arith.muli %add3A_236, %mul3A_238 : vector<16xi32>
        %add3A_240 = vector.broadcast %scan3A_171 : i32 to vector<16xi32>
        %add3A_241 = arith.addi %mul3A_239, %add3A_240 : vector<16xi32>
        %gather3A_242 = tpu.vector_load_idx %arg5[%add3A_241] : memref<51200xi32, #tpu.memory_space<vmem>>[vector<16xi32>], vector<16xi32>,
        %mul3A_243 = arith.constant 256 : i32
        %mul3A_244 = arith.muli %scan3A_171, %mul3A_243 : i32
        %mul3A_245 = arith.constant 16 : i32
        %mul3A_246 = arith.muli %scan3A_232, %mul3A_245 : i32
        %add3A_247 = arith.addi %mul3A_244, %mul3A_246 : i32
        %swap3A_248 = arith.index_cast %add3A_247 : i32 to index
        %swap3A_249 = tpu.vector_load %arg6[%swap3A_248] {strides = array<i32>} : memref<51200xi32, #tpu.memory_space<vmem>>, vector<16xi32>,
        tpu.vector_store %arg6[%swap3A_248], %gather3A_242 {strides = array<i32>} : memref<51200xi32, #tpu.memory_space<vmem>>, vector<16xi32>,
      }
      %scan3A_176 = arith.constant 16 : i32
    }
    %scan3A_104 = arith.constant 200 : i32
    %dma_start3A_105 = arith.constant 0 : i32
    %dma_start3A_106 = tpu.memref_slice %arg6[%dma_start3A_105] : memref<51200xi32, #tpu.memory_space<vmem>> -> memref<256xi32, #tpu.memory_space<vmem>>
    %dma_start3A_107 = arith.constant 0 : i32
    %dma_start3A_108 = arith.constant 0 : i32
    %dma_start3A_109 = tpu.memref_slice %arg3[%dma_start3A_107, %dma_start3A_108] : memref<1000000x32xf32, #tpu.memory_space<hbm>> -> memref<1000000x32xf32, #tpu.memory_space<hbm>>
    tpu.enqueue_indirect_dma source(%dma_start3A_109 : memref<1000000x32xf32, #tpu.memory_space<hbm>>) target(%arg7 : memref<256x32xf32, #tpu.memory_space<vmem>>) offsets(%dma_start3A_106 : memref<256xi32, #tpu.memory_space<vmem>>) semaphore(%arg10 : memref<!tpu.dma_semaphore, #tpu.memory_space<semaphore_mem>>)
    %dma_start3A_110 = arith.constant 256 : i32
    %dma_start3A_111 = tpu.memref_slice %arg6[%dma_start3A_110] : memref<51200xi32, #tpu.memory_space<vmem>> -> memref<256xi32, #tpu.memory_space<vmem>>
    %dma_start3A_112 = arith.constant 0 : i32
    %dma_start3A_113 = arith.constant 0 : i32
    %dma_start3A_114 = tpu.memref_slice %arg3[%dma_start3A_112, %dma_start3A_113] : memref<1000000x32xf32, #tpu.memory_space<hbm>> -> memref<1000000x32xf32, #tpu.memory_space<hbm>>
    tpu.enqueue_indirect_dma source(%dma_start3A_114 : memref<1000000x32xf32, #tpu.memory_space<hbm>>) target(%arg8 : memref<256x32xf32, #tpu.memory_space<vmem>>) offsets(%dma_start3A_111 : memref<256xi32, #tpu.memory_space<vmem>>) semaphore(%arg11 : memref<!tpu.dma_semaphore, #tpu.memory_space<semaphore_mem>>)
    %dma_wait3A_115 = arith.constant 0 : i32
    %dma_wait3A_116 = tpu.memref_slice %arg6[%dma_wait3A_115] : memref<51200xi32, #tpu.memory_space<vmem>> -> memref<256xi32, #tpu.memory_space<vmem>>
    %dma_wait3A_117 = arith.constant 0 : i32
    %dma_wait3A_118 = arith.constant 0 : i32
    %dma_wait3A_119 = tpu.memref_slice %arg3[%dma_wait3A_117, %dma_wait3A_118] : memref<1000000x32xf32, #tpu.memory_space<hbm>> -> memref<1000000x32xf32, #tpu.memory_space<hbm>>
    tpu.wait_indirect_dma semaphore(%arg10 : memref<!tpu.dma_semaphore, #tpu.memory_space<semaphore_mem>>) src(%dma_wait3A_119 : memref<1000000x32xf32, #tpu.memory_space<hbm>>) dst(%arg7 : memref<256x32xf32, #tpu.memory_space<vmem>>)
    %add3A_120 = arith.constant 256 : i32
    %add3A_121 = arith.addi %mul3A_2, %add3A_120 : i32
    %multiple_of3A_122 = tpu.assume_multiple %add3A_121, 256 : i32
    %dma_start3A_123 = arith.constant 0 : i32
    %dma_start3A_124 = arith.constant 0 : i32
    %dma_start3A_125 = tpu.memref_slice %arg4[%dma_start3A_123, %multiple_of3A_122, %dma_start3A_124] : memref<200x16384x32xf32, #tpu.memory_space<hbm>> -> memref<1x256x32xf32, #tpu.memory_space<hbm>>
    %dma_start3A_126 = tpu.memref_squeeze %dma_start3A_125 : memref<1x256x32xf32, #tpu.memory_space<hbm>> -> memref<256x32xf32, #tpu.memory_space<hbm>>
    %dma_start3A_127 = arith.constant 0 : i32
    %dma_start3A_128 = tpu.memref_slice %arg4[%dma_start3A_123, %multiple_of3A_122, %dma_start3A_127] : memref<200x16384x32xf32, #tpu.memory_space<hbm>> -> memref<1x256x32xf32, #tpu.memory_space<hbm>>
    %dma_start3A_129 = tpu.memref_squeeze %dma_start3A_128 : memref<1x256x32xf32, #tpu.memory_space<hbm>> -> memref<256x32xf32, #tpu.memory_space<hbm>>
    tpu.enqueue_dma source(%arg7 : memref<256x32xf32, #tpu.memory_space<vmem>>) target(%dma_start3A_129 : memref<256x32xf32, #tpu.memory_space<hbm>>) target_semaphore(%arg12 : memref<!tpu.dma_semaphore, #tpu.memory_space<semaphore_mem>>)
    %dma_wait3A_130 = arith.constant 256 : i32
    %dma_wait3A_131 = tpu.memref_slice %arg6[%dma_wait3A_130] : memref<51200xi32, #tpu.memory_space<vmem>> -> memref<256xi32, #tpu.memory_space<vmem>>
    %dma_wait3A_132 = arith.constant 0 : i32
    %dma_wait3A_133 = arith.constant 0 : i32
    %dma_wait3A_134 = tpu.memref_slice %arg3[%dma_wait3A_132, %dma_wait3A_133] : memref<1000000x32xf32, #tpu.memory_space<hbm>> -> memref<1000000x32xf32, #tpu.memory_space<hbm>>
    tpu.wait_indirect_dma semaphore(%arg11 : memref<!tpu.dma_semaphore, #tpu.memory_space<semaphore_mem>>) src(%dma_wait3A_134 : memref<1000000x32xf32, #tpu.memory_space<hbm>>) dst(%arg8 : memref<256x32xf32, #tpu.memory_space<vmem>>)
    %add3A_135 = arith.constant 256 : i32
    %add3A_136 = arith.addi %mul3A_2, %add3A_135 : i32
    %multiple_of3A_137 = tpu.assume_multiple %add3A_136, 256 : i32
    %dma_start3A_138 = arith.constant 1 : i32
    %dma_start3A_139 = arith.constant 0 : i32
    %dma_start3A_140 = tpu.memref_slice %arg4[%dma_start3A_138, %multiple_of3A_137, %dma_start3A_139] : memref<200x16384x32xf32, #tpu.memory_space<hbm>> -> memref<1x256x32xf32, #tpu.memory_space<hbm>>
    %dma_start3A_141 = tpu.memref_squeeze %dma_start3A_140 : memref<1x256x32xf32, #tpu.memory_space<hbm>> -> memref<256x32xf32, #tpu.memory_space<hbm>>
    %dma_start3A_142 = arith.constant 0 : i32
    %dma_start3A_143 = tpu.memref_slice %arg4[%dma_start3A_138, %multiple_of3A_137, %dma_start3A_142] : memref<200x16384x32xf32, #tpu.memory_space<hbm>> -> memref<1x256x32xf32, #tpu.memory_space<hbm>>
    %dma_start3A_144 = tpu.memref_squeeze %dma_start3A_143 : memref<1x256x32xf32, #tpu.memory_space<hbm>> -> memref<256x32xf32, #tpu.memory_space<hbm>>
    tpu.enqueue_dma source(%arg8 : memref<256x32xf32, #tpu.memory_space<vmem>>) target(%dma_start3A_144 : memref<256x32xf32, #tpu.memory_space<hbm>>) target_semaphore(%arg13 : memref<!tpu.dma_semaphore, #tpu.memory_space<semaphore_mem>>)
    %scan3A_145 = arith.constant 0 : i32
    %scan3A_146 = arith.constant 1 : i32
    %scan3A_147 = arith.constant 99 : i32
    %scan3A_148 = arith.addi %scan3A_146, %scan3A_147 : i32
    %scan3A_149 = arith.constant 1 : i32
    scf.for %scan3A_171 = %scan3A_146 to %scan3A_148 step %scan3A_149  : i32 {
      %mul3A_172 = arith.constant 2 : i32
      %mul3A_173 = arith.muli %mul3A_172, %scan3A_171 : i32
      %sub3A = arith.constant 2 : i32
      %sub3A_174 = arith.subi %mul3A_173, %sub3A : i32
      %add3A_175 = arith.constant 256 : i32
      %add3A_176 = arith.addi %mul3A_2, %add3A_175 : i32
      %multiple_of3A_177 = tpu.assume_multiple %add3A_176, 256 : i32
      %dma_wait3A_178 = arith.constant 0 : i32
      %dma_wait3A_179 = tpu.memref_slice %arg4[%sub3A_174, %multiple_of3A_177, %dma_wait3A_178] : memref<200x16384x32xf32, #tpu.memory_space<hbm>> -> memref<1x256x32xf32, #tpu.memory_space<hbm>>
      %dma_wait3A_180 = tpu.memref_squeeze %dma_wait3A_179 : memref<1x256x32xf32, #tpu.memory_space<hbm>> -> memref<256x32xf32, #tpu.memory_space<hbm>>
      %dma_wait3A_181 = arith.constant 0 : i32
      %dma_wait3A_182 = tpu.memref_slice %arg4[%sub3A_174, %multiple_of3A_177, %dma_wait3A_181] : memref<200x16384x32xf32, #tpu.memory_space<hbm>> -> memref<1x256x32xf32, #tpu.memory_space<hbm>>
      %dma_wait3A_183 = tpu.memref_squeeze %dma_wait3A_182 : memref<1x256x32xf32, #tpu.memory_space<hbm>> -> memref<256x32xf32, #tpu.memory_space<hbm>>
      tpu.wait_dma2 semaphore(%arg12 : memref<!tpu.dma_semaphore, #tpu.memory_space<semaphore_mem>>) src(%arg7 : memref<256x32xf32, #tpu.memory_space<vmem>>) dst(%dma_wait3A_183 : memref<256x32xf32, #tpu.memory_space<hbm>>)
      %mul3A_184 = arith.constant 256 : i32
      %mul3A_185 = arith.muli %mul3A_173, %mul3A_184 : i32
      %dma_start3A_186 = tpu.memref_slice %arg6[%mul3A_185] : memref<51200xi32, #tpu.memory_space<vmem>> -> memref<256xi32, #tpu.memory_space<vmem>>
      %dma_start3A_187 = arith.constant 0 : i32
      %dma_start3A_188 = arith.constant 0 : i32
      %dma_start3A_189 = tpu.memref_slice %arg3[%dma_start3A_187, %dma_start3A_188] : memref<1000000x32xf32, #tpu.memory_space<hbm>> -> memref<1000000x32xf32, #tpu.memory_space<hbm>>
      tpu.enqueue_indirect_dma source(%dma_start3A_189 : memref<1000000x32xf32, #tpu.memory_space<hbm>>) target(%arg7 : memref<256x32xf32, #tpu.memory_space<vmem>>) offsets(%dma_start3A_186 : memref<256xi32, #tpu.memory_space<vmem>>) semaphore(%arg10 : memref<!tpu.dma_semaphore, #tpu.memory_space<semaphore_mem>>)
      %sub3A_190 = arith.constant 1 : i32
      %sub3A_191 = arith.subi %mul3A_173, %sub3A_190 : i32
      %add3A_192 = arith.constant 256 : i32
      %add3A_193 = arith.addi %mul3A_2, %add3A_192 : i32
      %multiple_of3A_194 = tpu.assume_multiple %add3A_193, 256 : i32
      %dma_wait3A_195 = arith.constant 0 : i32
      %dma_wait3A_196 = tpu.memref_slice %arg4[%sub3A_191, %multiple_of3A_194, %dma_wait3A_195] : memref<200x16384x32xf32, #tpu.memory_space<hbm>> -> memref<1x256x32xf32, #tpu.memory_space<hbm>>
      %dma_wait3A_197 = tpu.memref_squeeze %dma_wait3A_196 : memref<1x256x32xf32, #tpu.memory_space<hbm>> -> memref<256x32xf32, #tpu.memory_space<hbm>>
      %dma_wait3A_198 = arith.constant 0 : i32
      %dma_wait3A_199 = tpu.memref_slice %arg4[%sub3A_191, %multiple_of3A_194, %dma_wait3A_198] : memref<200x16384x32xf32, #tpu.memory_space<hbm>> -> memref<1x256x32xf32, #tpu.memory_space<hbm>>
      %dma_wait3A_200 = tpu.memref_squeeze %dma_wait3A_199 : memref<1x256x32xf32, #tpu.memory_space<hbm>> -> memref<256x32xf32, #tpu.memory_space<hbm>>
      tpu.wait_dma2 semaphore(%arg13 : memref<!tpu.dma_semaphore, #tpu.memory_space<semaphore_mem>>) src(%arg8 : memref<256x32xf32, #tpu.memory_space<vmem>>) dst(%dma_wait3A_200 : memref<256x32xf32, #tpu.memory_space<hbm>>)
      %add3A_201 = arith.constant 1 : i32
      %add3A_202 = arith.addi %mul3A_173, %add3A_201 : i32
      %mul3A_203 = arith.constant 256 : i32
      %mul3A_204 = arith.muli %add3A_202, %mul3A_203 : i32
      %dma_start3A_205 = tpu.memref_slice %arg6[%mul3A_204] : memref<51200xi32, #tpu.memory_space<vmem>> -> memref<256xi32, #tpu.memory_space<vmem>>
      %dma_start3A_206 = arith.constant 0 : i32
      %dma_start3A_207 = arith.constant 0 : i32
      %dma_start3A_208 = tpu.memref_slice %arg3[%dma_start3A_206, %dma_start3A_207] : memref<1000000x32xf32, #tpu.memory_space<hbm>> -> memref<1000000x32xf32, #tpu.memory_space<hbm>>
      tpu.enqueue_indirect_dma source(%dma_start3A_208 : memref<1000000x32xf32, #tpu.memory_space<hbm>>) target(%arg8 : memref<256x32xf32, #tpu.memory_space<vmem>>) offsets(%dma_start3A_205 : memref<256xi32, #tpu.memory_space<vmem>>) semaphore(%arg11 : memref<!tpu.dma_semaphore, #tpu.memory_space<semaphore_mem>>)
      %mul3A_209 = arith.constant 256 : i32
      %mul3A_210 = arith.muli %mul3A_173, %mul3A_209 : i32
      %dma_wait3A_211 = tpu.memref_slice %arg6[%mul3A_210] : memref<51200xi32, #tpu.memory_space<vmem>> -> memref<256xi32, #tpu.memory_space<vmem>>
      %dma_wait3A_212 = arith.constant 0 : i32
      %dma_wait3A_213 = arith.constant 0 : i32
      %dma_wait3A_214 = tpu.memref_slice %arg3[%dma_wait3A_212, %dma_wait3A_213] : memref<1000000x32xf32, #tpu.memory_space<hbm>> -> memref<1000000x32xf32, #tpu.memory_space<hbm>>
      tpu.wait_indirect_dma semaphore(%arg10 : memref<!tpu.dma_semaphore, #tpu.memory_space<semaphore_mem>>) src(%dma_wait3A_214 : memref<1000000x32xf32, #tpu.memory_space<hbm>>) dst(%arg7 : memref<256x32xf32, #tpu.memory_space<vmem>>)
      %add3A_215 = arith.constant 256 : i32
      %add3A_216 = arith.addi %mul3A_2, %add3A_215 : i32
      %multiple_of3A_217 = tpu.assume_multiple %add3A_216, 256 : i32
      %dma_start3A_218 = arith.constant 0 : i32
      %dma_start3A_219 = tpu.memref_slice %arg4[%mul3A_173, %multiple_of3A_217, %dma_start3A_218] : memref<200x16384x32xf32, #tpu.memory_space<hbm>> -> memref<1x256x32xf32, #tpu.memory_space<hbm>>
      %dma_start3A_220 = tpu.memref_squeeze %dma_start3A_219 : memref<1x256x32xf32, #tpu.memory_space<hbm>> -> memref<256x32xf32, #tpu.memory_space<hbm>>
      %dma_start3A_221 = arith.constant 0 : i32
      %dma_start3A_222 = tpu.memref_slice %arg4[%mul3A_173, %multiple_of3A_217, %dma_start3A_221] : memref<200x16384x32xf32, #tpu.memory_space<hbm>> -> memref<1x256x32xf32, #tpu.memory_space<hbm>>
      %dma_start3A_223 = tpu.memref_squeeze %dma_start3A_222 : memref<1x256x32xf32, #tpu.memory_space<hbm>> -> memref<256x32xf32, #tpu.memory_space<hbm>>
      tpu.enqueue_dma source(%arg7 : memref<256x32xf32, #tpu.memory_space<vmem>>) target(%dma_start3A_223 : memref<256x32xf32, #tpu.memory_space<hbm>>) target_semaphore(%arg12 : memref<!tpu.dma_semaphore, #tpu.memory_space<semaphore_mem>>)
      %add3A_224 = arith.constant 1 : i32
      %add3A_225 = arith.addi %mul3A_173, %add3A_224 : i32
      %mul3A_226 = arith.constant 256 : i32
      %mul3A_227 = arith.muli %add3A_225, %mul3A_226 : i32
      %dma_wait3A_228 = tpu.memref_slice %arg6[%mul3A_227] : memref<51200xi32, #tpu.memory_space<vmem>> -> memref<256xi32, #tpu.memory_space<vmem>>
      %dma_wait3A_229 = arith.constant 0 : i32
      %dma_wait3A_230 = arith.constant 0 : i32
      %dma_wait3A_231 = tpu.memref_slice %arg3[%dma_wait3A_229, %dma_wait3A_230] : memref<1000000x32xf32, #tpu.memory_space<hbm>> -> memref<1000000x32xf32, #tpu.memory_space<hbm>>
      tpu.wait_indirect_dma semaphore(%arg11 : memref<!tpu.dma_semaphore, #tpu.memory_space<semaphore_mem>>) src(%dma_wait3A_231 : memref<1000000x32xf32, #tpu.memory_space<hbm>>) dst(%arg8 : memref<256x32xf32, #tpu.memory_space<vmem>>)
      %add3A_232 = arith.constant 1 : i32
      %add3A_233 = arith.addi %mul3A_173, %add3A_232 : i32
      %add3A_234 = arith.constant 256 : i32
      %add3A_235 = arith.addi %mul3A_2, %add3A_234 : i32
      %multiple_of3A_236 = tpu.assume_multiple %add3A_235, 256 : i32
      %dma_start3A_237 = arith.constant 0 : i32
      %dma_start3A_238 = tpu.memref_slice %arg4[%add3A_233, %multiple_of3A_236, %dma_start3A_237] : memref<200x16384x32xf32, #tpu.memory_space<hbm>> -> memref<1x256x32xf32, #tpu.memory_space<hbm>>
      %dma_start3A_239 = tpu.memref_squeeze %dma_start3A_238 : memref<1x256x32xf32, #tpu.memory_space<hbm>> -> memref<256x32xf32, #tpu.memory_space<hbm>>
      %dma_start3A_240 = arith.constant 0 : i32
      %dma_start3A_241 = tpu.memref_slice %arg4[%add3A_233, %multiple_of3A_236, %dma_start3A_240] : memref<200x16384x32xf32, #tpu.memory_space<hbm>> -> memref<1x256x32xf32, #tpu.memory_space<hbm>>
      %dma_start3A_242 = tpu.memref_squeeze %dma_start3A_241 : memref<1x256x32xf32, #tpu.memory_space<hbm>> -> memref<256x32xf32, #tpu.memory_space<hbm>>
      tpu.enqueue_dma source(%arg8 : memref<256x32xf32, #tpu.memory_space<vmem>>) target(%dma_start3A_242 : memref<256x32xf32, #tpu.memory_space<hbm>>) target_semaphore(%arg13 : memref<!tpu.dma_semaphore, #tpu.memory_space<semaphore_mem>>)
    }
    %scan3A_150 = arith.constant 99 : i32
    %add3A_151 = arith.constant 256 : i32
    %add3A_152 = arith.addi %mul3A_2, %add3A_151 : i32
    %multiple_of3A_153 = tpu.assume_multiple %add3A_152, 256 : i32
    %dma_wait3A_154 = arith.constant 198 : i32
    %dma_wait3A_155 = arith.constant 0 : i32
    %dma_wait3A_156 = tpu.memref_slice %arg4[%dma_wait3A_154, %multiple_of3A_153, %dma_wait3A_155] : memref<200x16384x32xf32, #tpu.memory_space<hbm>> -> memref<1x256x32xf32, #tpu.memory_space<hbm>>
    %dma_wait3A_157 = tpu.memref_squeeze %dma_wait3A_156 : memref<1x256x32xf32, #tpu.memory_space<hbm>> -> memref<256x32xf32, #tpu.memory_space<hbm>>
    %dma_wait3A_158 = arith.constant 0 : i32
    %dma_wait3A_159 = tpu.memref_slice %arg4[%dma_wait3A_154, %multiple_of3A_153, %dma_wait3A_158] : memref<200x16384x32xf32, #tpu.memory_space<hbm>> -> memref<1x256x32xf32, #tpu.memory_space<hbm>>
    %dma_wait3A_160 = tpu.memref_squeeze %dma_wait3A_159 : memref<1x256x32xf32, #tpu.memory_space<hbm>> -> memref<256x32xf32, #tpu.memory_space<hbm>>
    tpu.wait_dma2 semaphore(%arg12 : memref<!tpu.dma_semaphore, #tpu.memory_space<semaphore_mem>>) src(%arg7 : memref<256x32xf32, #tpu.memory_space<vmem>>) dst(%dma_wait3A_160 : memref<256x32xf32, #tpu.memory_space<hbm>>)
    %add3A_161 = arith.constant 256 : i32
    %add3A_162 = arith.addi %mul3A_2, %add3A_161 : i32
    %multiple_of3A_163 = tpu.assume_multiple %add3A_162, 256 : i32
    %dma_wait3A_164 = arith.constant 199 : i32
    %dma_wait3A_165 = arith.constant 0 : i32
    %dma_wait3A_166 = tpu.memref_slice %arg4[%dma_wait3A_164, %multiple_of3A_163, %dma_wait3A_165] : memref<200x16384x32xf32, #tpu.memory_space<hbm>> -> memref<1x256x32xf32, #tpu.memory_space<hbm>>
    %dma_wait3A_167 = tpu.memref_squeeze %dma_wait3A_166 : memref<1x256x32xf32, #tpu.memory_space<hbm>> -> memref<256x32xf32, #tpu.memory_space<hbm>>
    %dma_wait3A_168 = arith.constant 0 : i32
    %dma_wait3A_169 = tpu.memref_slice %arg4[%dma_wait3A_164, %multiple_of3A_163, %dma_wait3A_168] : memref<200x16384x32xf32, #tpu.memory_space<hbm>> -> memref<1x256x32xf32, #tpu.memory_space<hbm>>
    %dma_wait3A_170 = tpu.memref_squeeze %dma_wait3A_169 : memref<1x256x32xf32, #tpu.memory_space<hbm>> -> memref<256x32xf32, #tpu.memory_space<hbm>>
    tpu.wait_dma2 semaphore(%arg13 : memref<!tpu.dma_semaphore, #tpu.memory_space<semaphore_mem>>) src(%arg8 : memref<256x32xf32, #tpu.memory_space<vmem>>) dst(%dma_wait3A_170 : memref<256x32xf32, #tpu.memory_space<hbm>>)
    return
  }
}

</mosaic_0001>

<sc_bundles>
// kernel: kernel.3.cloned.1.call-start
scs
__scs_entry_jumppad:
0x0: {  	(pc) =	sbr.rel $0x88, $3  }
0x1: {  	(tag) =	ssettag $0x0;
	lr =	simm.s32 $0x1  }
0x2: {  	[smem:$0x3F9F] =	sst lr;
	_ =	strace $0xD0000000  }
0x3: {  	_ = 	snop  }
0x4: {  	_ = 	snop  }
0x5: {  	_ = 	snop  }
0x6: {  	_ = 	snop  }
0x7: {  	_ = 	snop  }
__scs_overlays_trampoline_lowered:
0x8: {  	[smem:$0x3FAE] =	sst s0  }
0x9: {  	[smem:$0x3FAF] =	sst s1  }
0xa: {  	[smem:$0x3FB0] =	sst s2  }
0xb: {  	[smem:$0x3FB1] =	sst s3  }
0xc: {  	[smem:$0x3FB2] =	sst s4  }
0xd: {  	[smem:$0x3FB3] =	sst s5  }
0xe: {  	[smem:$0x3FB4] =	sst s6  }
0xf: {  	[smem:$0x3FB5] =	sst s7  }
0x10: {  	[smem:$0x3FB6] =	sst s8  }
0x11: {  	[smem:$0x3FB7] =	sst s9;
	s0 =	simm.s32 @!p0 $0x0  }
0x12: {  	s1 =	sld [smem:$0x3F9D];
	s0 =	simm.s32 @p0 $0x1  }
0x13: {  	[smem:$0x3FB8] =	sst s0;
	s0 =	simm.s32 @!p1 $0x0  }
0x14: {  	s2 =	sld [smem:$0x3F9C];
	s0 =	simm.s32 @p1 $0x1  }
0x15: {  	[smem:$0x3FB9] =	sst s0;
	s0 =	simm.s32 @!p2 $0x0  }
0x16: {  	s3 =	sld [smem:$0x3FDB];
	s0 =	simm.s32 @p2 $0x1  }
0x17: {  	s4 =	simm.s32 $0x1BF5;
	[smem:$0x3FBB] =	sst s0  }
0x18: {  	s0 =	sld [smem:$0x3F9E];
	_ =	swait.ge [sflag:s4], $0x0  }
0x19: {  	s7 =	sld [smem:$0x3F9F]  }
0x1a: {  	s8 =	sadd.s32 $0xFFFFE003, lr  }
0x1b: {  	s9 =	sadd.s32 $0xFFFFFEF7, lr;
	s5 =	simm.s32 $0xFFFFFFFF;
	p2 =	slt.u32 s8, $0xFFFFF086  }
0x1c: {  	p1 =	slt.u32 s9, $0xF7A;
	s5 =	simm.s32 @!p2 $0x0  }
0x1d: {  	s5 =	simm.s32 @p1 $0x1;
	p0 =	seq.s32 s7, s2  }
0x1e: {  	s7 =	smul.u32 @!p0 $0xF7A, s2;
	p2 =	seq.s32 @!p0 s5, $0x0  }
0x1f: {  	s9 =	smul.u32 $0xF7A, s1;
	s8 =	simm.s32 @!p0 $0x1BF5;
	p2 =	por !p2, p0  }
0x20: {  	[sflag:s8] =	ssyncset.s32 @!p0 $0xFFFFF086;
	s6 =	sadd.s32 @!p0 s3, s7;
	s7 =	simm.s32 @!p0 $0x108  }
0x21: {  	s3 =	sadd.s32 s3, s9;
	s6 =	sadd.s32 @!p0 $0x88, s6;
	s7 =	simm.s32 @p2 $0x1082  }
0x22: {  	[simem:s7], [sflag:s8] =	dma.local @!p0 [hbm:s6], $0xF7A  }
0x23: {  	s9 =	sor.u32 $0xD0000000, s2;
	s6 =	simm.s32 $0x108;
	_ =	swait.ge @!p0 [sflag:s8], $0x0  }
0x24: {  	s3 =	sadd.s32 $0x88, s3;
	s6 =	simm.s32 @!p1 $0x1082;
	[sflag:s4] =	ssyncset.s32 $0xFFFFF086  }
0x25: {  	[simem:s6], [sflag:s4] =	dma.local [hbm:s3], $0xF7A  }
0x26: {  	[smem:$0x3F9F] =	sst s1;
	(tag) =	ssettag s2;
	_ =	strace s9  }
0x27: {  	s1 =	sld [smem:$0x3FAF]  }
0x28: {  	s2 =	sld [smem:$0x3FB0]  }
0x29: {  	s4 =	sld [smem:$0x3FB2]  }
0x2a: {  	p0 =	seq.s32 s5, $0x0;
	s5 =	sld [smem:$0x3FB3]  }
0x2b: {  	s6 =	sld [smem:$0x3FB4]  }
0x2c: {  	s7 =	sld [smem:$0x3FB5]  }
0x2d: {  	s3 =	simm.s32 $0x108;
	s8 =	sld [smem:$0x3FB6]  }
0x2e: {  	s3 =	simm.s32 @!p0 $0x1082;
	s9 =	sld [smem:$0x3FB7]  }
0x2f: {  	lr =	sadd.s32 s0, s3;
	s0 =	sld [smem:$0x3FAE]  }
0x30: {  	s3 =	sld [smem:$0x3FB1]  }
0x31: {  	[smem:$0x3FBA] =	sst s10  }
0x32: {  	s10 =	sld [smem:$0x3FB8];
	_ =	sdelay $0x3  }
0x33: {  	p0 =	seq.s32 s10, $0x1;
	s10 =	sld [smem:$0x3FBA];
	_ =	sdelay $0x3  }
0x34: {  	[smem:$0x3FBA] =	sst s10  }
0x35: {  	s10 =	sld [smem:$0x3FB9];
	_ =	sdelay $0x3  }
0x36: {  	p1 =	seq.s32 s10, $0x1;
	s10 =	sld [smem:$0x3FBA];
	_ =	sdelay $0x3  }
0x37: {  	[smem:$0x3FBA] =	sst s10  }
0x38: {  	s10 =	sld [smem:$0x3FBB]  }
0x39: {  	_ = 	snop;
	(pc) =	sbr.ind lr, $3  }
0x3a: {  	_ = 	snop  }
0x3b: {  	_ = 	snop  }
0x3c: {  	p2 =	seq.s32 s10, $0x1;
	s10 =	sld [smem:$0x3FBA]  }
0x3d: {  	_ =	shalt  }
0x3e: {  	_ =	shalt  }
0x3f: {  	_ =	shalt  }
0x40: {  	_ =	shalt  }
0x41: {  	_ =	shalt  }
0x42: {  	_ =	shalt  }
0x43: {  	_ =	shalt  }
0x44: {  	_ =	shalt  }
0x45: {  	_ =	shalt  }
0x46: {  	_ =	shalt  }
0x47: {  	_ =	shalt  }
0x48: {  	_ =	shalt  }
0x49: {  	_ =	shalt  }
0x4a: {  	_ =	shalt  }
0x4b: {  	_ =	shalt  }
0x4c: {  	_ =	shalt  }
0x4d: {  	_ =	shalt  }
0x4e: {  	_ =	shalt  }
0x4f: {  	_ =	shalt  }
0x50: {  	_ =	shalt  }
0x51: {  	_ =	shalt  }
0x52: {  	_ =	shalt  }
0x53: {  	_ =	shalt  }
0x54: {  	_ =	shalt  }
0x55: {  	_ =	shalt  }
0x56: {  	_ =	shalt  }
0x57: {  	_ =	shalt  }
0x58: {  	_ =	shalt  }
0x59: {  	_ =	shalt  }
0x5a: {  	_ =	shalt  }
0x5b: {  	_ =	shalt  }
0x5c: {  	_ =	shalt  }
0x5d: {  	_ =	shalt  }
0x5e: {  	_ =	shalt  }
0x5f: {  	_ =	shalt  }
0x60: {  	_ =	shalt  }
0x61: {  	_ =	shalt  }
0x62: {  	_ =	shalt  }
0x63: {  	_ =	shalt  }
0x64: {  	_ =	shalt  }
0x65: {  	_ =	shalt  }
0x66: {  	_ =	shalt  }
0x67: {  	_ =	shalt  }
0x68: {  	_ =	shalt  }
0x69: {  	_ =	shalt  }
0x6a: {  	_ =	shalt  }
0x6b: {  	_ =	shalt  }
0x6c: {  	_ =	shalt  }
0x6d: {  	_ =	shalt  }
0x6e: {  	_ =	shalt  }
0x6f: {  	_ =	shalt  }
0x70: {  	_ =	shalt  }
0x71: {  	_ =	shalt  }
0x72: {  	_ =	shalt  }
0x73: {  	_ =	shalt  }
0x74: {  	_ =	shalt  }
0x75: {  	_ =	shalt  }
0x76: {  	_ =	shalt  }
0x77: {  	_ =	shalt  }
0x78: {  	_ =	shalt  }
0x79: {  	_ =	shalt  }
0x7a: {  	_ =	shalt  }
0x7b: {  	_ =	shalt  }
0x7c: {  	_ =	shalt  }
0x7d: {  	_ =	shalt  }
0x7e: {  	_ =	shalt  }
0x7f: {  	_ =	shalt  }
0x80: {  	_ =	shalt  }
0x81: {  	_ =	shalt  }
0x82: {  	_ =	shalt  }
0x83: {  	_ =	shalt  }
0x84: {  	_ =	shalt  }
0x85: {  	_ =	shalt  }
0x86: {  	_ =	shalt  }
0x87: {  	_ =	shalt  }
.Lfunc_end0:
.L_simem_size_0:
called_computation.1_lowered:
.L_overlay_start_0:
0x88: {  	s2 =	sld [smem:$0x3FD9]  }
0x89: {  	s3 =	sld [smem:$0x3FFE];
	_ =	sdelay $0x1  }
0x8a: {  	s1 =	srdreg.scid  }
0x8b: {  	s0 =	sand.u32 $0x1, s1  }
0x8c: {  	s17 =	sshll.u32 s0, $0xA;
	s2 =	sadd.s32 s3, s2  }
0x8d: {  	s2 =	sadd.s32 s2, s17  }
0x8e: {  	[smem:$0x3FC6] =	sst s2  }
0x8f: {  	_ = 	snop  }
0x90: {  	s2 =	sld [smem:$0x3FD0];
	(tm) =	ssettm $0x1  }
0x91: {  	s18 =	sld [smem:$0x3FFB];
	_ =	sdelay $0x3  }
0x92: {  	_ =	strace s18  }
0x93: {  	s3 =	sld [smem:$0x3FFC];
	_ =	sdelay $0x3  }
0x94: {  	_ =	strace s3  }
0x95: {  	s3 =	sld [smem:$0x3FFD];
	_ =	sdelay $0x3  }
0x96: {  	_ =	strace s3  }
0x97: {  	_ =	strace $0x8FFFFFFF  }
0x98: {  	s19 =	sld [smem:$0x3FDB];
	_ =	sdelay $0x1  }
0x99: {  	s4 =	simm.s32 $_scs_section_size  }
0x9a: {  	s5 =	simm.s32 $_size__tile_overlayer_lowered;
	s6 =	simm.s32 $_tile_overlayer_lowered  }
0x9b: {  	s22 =	simm.s32 $0x1BFF;
	s21 =	sshll.u32 s6, $0x1;
	s3 =	sadd.s32 s4, s19  }
0x9c: {  	s7 =	simm.s32 $0x0;
	s20 =	sshll.u32 s5, $0x1;
	s5 =	sadd.s32 s21, s3  }
0x9d: {  	[timem:s7], [sflag:s22] =	dma.local [hbm:s5], s20  }
0x9e: {  	_ =	swait.ge [sflag:s22], s20  }
0x9f: {  	s4 =	ssub.s32 $0x0, s20;
	[sflag:s22] =	ssyncset.done $0x0  }
0xa0: {  	[sflag:s22] =	ssyncadd.s32 s4;
	_ =	sdelay $0x1  }
0xa1: {  	s23 =	simm.s32 $0x1B8B  }
0xa2: {  	_ =	swait.ge [sflag:s23], $0x1  }
0xa3: {  	[sflag:s23] =	ssyncset.done $0x0  }
0xa4: {  	s25 =	simm.s32 $0x1B8E;
	s24 =	sld [smem:$0x3FFE];
	[sflag:s23] =	ssyncadd.s32 $0xFFFFFFFF  }
0xa5: {  	s26 =	simm.s32 $execute0_lowered;
	[smem:$0x3FD2] =	sst s25  }
0xa6: {  	s5 =	sshll.u32 s26, $0x1;
	_ =	strace $0x80000046;
	[dreg:$0x1] =	wrdreg $0xFFFFFFFF  }
0xa7: {  	s28 =	simm.s32 $_size_execute0_lowered;
	s3 =	sadd.s32 s3, s5;
	[dreg:$0x0] =	wrdreg $0x0  }
0xa8: {  	s5 =	sshll.u32 s28, $0x1;
	[dreg:$0x2] =	wrdreg s3  }
0xa9: {  	[dreg:$0x3] =	wrdreg s5  }
0xaa: {  	[dreg:$0x4] =	wrdreg $0xC0  }
0xab: {  	_ =	task [dreg:s7], $0x5FFFF  }
0xac: {  	[dreg:$0x1] =	wrdreg $0xFFFFFFFF  }
0xad: {  	[dreg:$0x0] =	wrdreg $0x60  }
0xae: {  	[dreg:$0x2] =	wrdreg s24  }
0xaf: {  	[dreg:$0x3] =	wrdreg s2  }
0xb0: {  	[dreg:$0x4] =	wrdreg $0x9  }
0xb1: {  	_ =	task.clear_ibuf [dreg:s7], $0x5FFFF;
	_ =	strace $0x90000046  }
0xb2: {  	s29 =	simm.s32 $0x9;
	_ =	strace $0x80000048  }
0xb3: {  	_ =	swait.ge [sflag:s29], $0x1  }
0xb4: {  	[sflag:s29] =	ssyncadd.s32 $0xFFFFFFFF  }
0xb5: {  	_ =	strace $0x90000048  }
0xb6: {  	_ =	sfence  }
0xb7: {  	s30 =	sld [smem:$0x0];
	_ =	sdelay $0x2  }
0xb8: {  	s31 =	sshll.u32 s1, $0xD;
	s1 =	sshrl.u32 s1, $0x2  }
0xb9: {  	s3 =	sand.u32 $0x4000, s31;
	s1 =	sadd.s32 s1, s30  }
0xba: {  	s0 =	sor.u32 s3, s0;
	s1 =	sshll.u32 s1, $0x11  }
0xbb: {  	s0 =	sor.u32 s1, s0  }
0xbc: {  	s0 =	sadd.s32 $0x8F2B, s0  }
0xbd: {  	[sflag:s0] =	ssyncadd.remote.s32 $0x1  }
0xbe: {  	_ =	sfence.sel $0xFFFF  }
0xbf: {  	[dreg:$0x0] =	wrdreg $0xFFFFFFFF;
	(pc) =	sbr.abs _section_cstart, $3  }
0xc0: {  	[dreg:$0x1] =	wrdreg $0xFFFFFFFF  }
0xc1: {  	_ =	task.clear_ibuf [dreg:s7], $0x2FFFF;
	_ =	strace $0x9FFFFFFF  }
0xc2: {  	(tm) =	ssettm $0x7FFFFFFF  }
0xc3: {  	_ =	shalt  }
tec
execute0_lowered:
.L_overlay_start_1:
0x0: {  	(tag) =	ssettag $0x1  }
0x1: {  	s0 =	rddreg [dreg:$0x0]  }
0x2: {  	s2 =	rddreg [dreg:$0x1];
	s3 =	simm.s32 $0x0  }
0x3: {  	s1 =	srdreg.scid;
	s13 =	stileid.u32;
	s16 =	simm.s32 $0x1  }
0x4: {  	s17 =	simm.s32 $0x100;
	s18 =	simm.s32 $0xC800;
	s19 =	simm.s32 $0x19000  }
0x5: {  	s20 =	simm.s32 $0xC900;
	s21 =	simm.s32 $0x1B000;
	s22 =	simm.s32 $0x2  }
0x6: {  	s23 =	simm.s32 $0x3;
	s24 =	simm.s32 $0x4;
	s25 =	simm.s32 $0x5  }
0x7: {  	s26 =	simm.s32 $0x0;
	[smem:$0x7FF] =	sst s3;
	s1 =	sand.u32 $0x1, s1  }
0x8: {  	s4 =	sshll.u32 s13, $0x1;
	s8 =	sadd.s32 $0x800, s0;
	s12 =	sadd.s32 $0x10000, s2  }
0x9: {  	s13 =	sshll.u32 s13, $0xF;
	_ =	strace $0x80000047;
	s5 =	sor.u32 s1, s4  }
0xa: {  	s4 =	sadd.s32 $0xFA6C00, s0;
	s28 =	ssub.s32 $0x2, s1;
	s1 =	sshll.u32 s1, $0xE  }
0xb: {  	s6 =	sshll.u32 s5, $0x9;
	s7 =	sshrl.u32 s28, $0x1;
	s9 =	smul.u32 $0x3200, s5  }
0xc: {  	s29 =	sshll.u32 s5, $0xB;
	s31 =	sor.u32 s1, s13;
	s10 =	sor.u32 $0x100, s6  }
0xd: {  	s0 =	ssub.s32 s28, s7;
	s6 =	sadd.s32 s2, s29;
	s7 =	sadd.s32 s29, s12  }
0xe: {  	s1 =	sor.u32 $0x180000, s31;
	s13 =	sor.u32 $0x102000, s31;
	s11 =	smul.u32 $0x19, s10  }
0xf: {  	s30 =	sadd.s32 s8, s9;
	s10 =	sshll.u32 s10, $0x2;
	s1 =	sshrl.u32 s1, $0x3  }
0x10: {  	s14 =	sshrl.u32 s13, $0x3;
	[dreg:$0x3] =	wrdreg s30;
	s9 =	sadd.s32 s2, s10  }
0x11: {  	s8 =	sadd.s32 s8, s11;
	s11 =	smax.u32 s0, $0x1;
	s0 =	sor.u32 $0x182000, s31  }
0x12: {  	v0 =	vlaneseq.u32;
	s10 =	sadd.s32 s10, s12;
	s12 =	sor.u32 $0x100000, s31;
	s0 =	sshrl.u32 s0, $0x3  }
0x13: {  	v0 =	vmul.u32 $0xC8, v0;
	s13 =	sadd.s32 s1, s2;
	s14 =	sadd.s32 s14, s2;
	s15 =	sadd.s32 s0, s2  }
.LBB2_1:
0x14: {  	s0 =	rddreg [dreg:$0x3]  }
0x15: {  	[tilespmem:s3], [sflag:$0x1] =	stream.linear.gather [hbm4b:s0+s3], $0xC800, $0x38;
	[tilespmem:$0x1D000] =	vst v63  }
0x16: {  	_ =	swait.ge [sflag:s16], $0xC800  }
0x17: {  	[sflag:s16] =	ssyncset.done $0x0  }
0x18: {  	s28 =	simm.s32 $0xC820;
	s29 =	simm.s32 $0x0;
	[sflag:s16] =	ssyncadd.s32 $0xFFFF3800  }
.LBB2_2:
0x19: {  	s0 =	simm.s32 $0x0  }
0x1a: {  	v1 =	vmov s0  }
0x1b: {  	v2 =	vmul.u32 $0xC8, v1  }
0x1c: {  	v1 =	vmov s29  }
0x1d: {  	v2 =	vadd.s32 v1, v2  }
0x1e: {  	v2 =	vbroadcast v2, $0x0  }
0x1f: {  	s5 =	simm.s32 $0x10  }
0x20: {  	v3 =	vmov s5;
	v2 =	vadd.s32 v0, v2  }
0x21: {  	v3 =	vmul.u32 $0xC8, v3;
	_ =	sdelay $0x1  }
0x22: {  	v3 =	vadd.s32 v1, v3  }
0x23: {  	v3 =	vbroadcast v3, $0x0  }
0x24: {  	s1 =	simm.s32 $0x20;
	v2 =	vld.idx.msk [tilespmem:v2+s3+$0x0], $0xffff  }
0x25: {  	v4 =	vmov s1;
	v3 =	vadd.s32 v0, v3  }
0x26: {  	v4 =	vmul.u32 $0xC8, v4;
	_ =	sdelay $0x1  }
0x27: {  	v4 =	vadd.s32 v1, v4  }
0x28: {  	[tilespmem:s28+$0xFFFFFFE0] =	vst v2;
	v2 =	vbroadcast v4, $0x0  }
0x29: {  	s5 =	simm.s32 $0x30;
	v3 =	vld.idx.msk [tilespmem:v3+s3+$0x0], $0xffff  }
0x2a: {  	v4 =	vmov s5;
	v2 =	vadd.s32 v0, v2  }
0x2b: {  	v4 =	vmul.u32 $0xC8, v4;
	_ =	sdelay $0x1  }
0x2c: {  	v4 =	vadd.s32 v1, v4  }
0x2d: {  	v4 =	vbroadcast v4, $0x0;
	[tilespmem:s28+$0xFFFFFFF0] =	vst v3  }
0x2e: {  	v2 =	vld.idx.msk [tilespmem:v2+s3+$0x0], $0xffff  }
0x2f: {  	s31 =	simm.s32 $0x0;
	s30 =	smov.u32 s28;
	s0 =	simm.s32 $0x40;
	v3 =	vadd.s32 v0, v4  }
.LBB2_3:
0x30: {  	v4 =	vmov s0;
	s31 =	sadd.s32 $0x4, s31  }
0x31: {  	v4 =	vmul.u32 $0xC8, v4;
	p0 =	slt.u32 s31, $0xC;
	_ =	sdelay $0x1  }
0x32: {  	v4 =	vadd.s32 v1, v4;
	[tilespmem:s30+$0x0] =	vst v2  }
0x33: {  	v2 =	vbroadcast v4, $0x0;
	v3 =	vld.idx.msk [tilespmem:v3+s3+$0x0], $0xffff;
	_ =	sdelay $0x1  }
0x34: {  	s1 =	sadd.s32 $0x10, s0;
	v2 =	vadd.s32 v0, v2  }
0x35: {  	v4 =	vmov s1  }
0x36: {  	v4 =	vmul.u32 $0xC8, v4;
	_ =	sdelay $0x1  }
0x37: {  	v4 =	vadd.s32 v1, v4;
	[tilespmem:s30+$0x10] =	vst v3  }
0x38: {  	v3 =	vbroadcast v4, $0x0;
	v2 =	vld.idx.msk [tilespmem:v2+s3+$0x0], $0xffff;
	_ =	sdelay $0x1  }
0x39: {  	s1 =	sadd.s32 $0x20, s0;
	v3 =	vadd.s32 v0, v3  }
0x3a: {  	v4 =	vmov s1  }
0x3b: {  	v4 =	vmul.u32 $0xC8, v4  }
0x3c: {  	s30 =	sadd.s32 $0x40, s30  }
0x3d: {  	[tilespmem:s30+$0xFFFFFFE0] =	vst v2;
	v2 =	vadd.s32 v1, v4  }
0x3e: {  	v3 =	vld.idx.msk [tilespmem:v3+s3+$0x0], $0xffff;
	v2 =	vbroadcast v2, $0x0;
	_ =	sdelay $0x1  }
0x3f: {  	s1 =	sadd.s32 $0x30, s0;
	v2 =	vadd.s32 v0, v2  }
0x40: {  	v4 =	vmov s1  }
0x41: {  	v4 =	vmul.u32 $0xC8, v4  }
.Ltmp0:
0x42: {  	(pc) =	sbr.rel @p0 .LBB2_3-.Ltmp0, $3  }
0x43: {  	[tilespmem:s30+$0xFFFFFFF0] =	vst v3;
	v3 =	vadd.s32 v1, v4  }
0x44: {  	v2 =	vld.idx.msk [tilespmem:v2+s3+$0x0], $0xffff;
	v3 =	vbroadcast v3, $0x0;
	_ =	sdelay $0x1  }
0x45: {  	s0 =	sadd.s32 $0x40, s0;
	v3 =	vadd.s32 v0, v3  }
0x46: {  	_ =	sdelay $0x2  }
0x47: {  	s29 =	sadd.s32 $0x1, s29;
	[tilespmem:s30+$0x0] =	vst v2  }
0x48: {  	p0 =	sne.s32 s29, $0xC8;
	v1 =	vld.idx.msk [tilespmem:v3+s3+$0x0], $0xffff  }
.Ltmp1:
0x49: {  	_ = 	snop;
	(pc) =	sbr.rel @p0 .LBB2_2-.Ltmp1, $2  }
0x4a: {  	_ =	sdelay $0x2  }
0x4b: {  	s28 =	sadd.s32 $0x100, s28;
	[tilespmem:s30+$0x10] =	vst v1  }
0x4c: {  	[tilespmem:s19], [sflag:$0x2] =	stream.indirect.gather [hbm4b:s4+s17], $0x20, s18, s17, $0xb8;
	[tilespmem:$0x1D000] =	vst v63  }
0x4d: {  	_ = 	snop  }
0x4e: {  	[tilespmem:s21], [sflag:$0x3] =	stream.indirect.gather [hbm4b:s4+s17], $0x20, s20, s17, $0xb8;
	[tilespmem:$0x1D000] =	vst v63  }
0x4f: {  	_ =	swait.ge [sflag:s22], $0x2000  }
0x50: {  	[sflag:s22] =	ssyncset.done $0x0  }
0x51: {  	s0 =	simm.s32 $0x0;
	[sflag:s22] =	ssyncadd.s32 $0xFFFFE000  }
0x52: {  	[hbm4b:s6+s0] =	stream.linear.scatter [tilespmem:s19], [sflag:$0x4], $0x2000, $0x38;
	[tilespmem:$0x1D000] =	vst v63  }
0x53: {  	_ =	swait.ge [sflag:s23], $0x2000  }
0x54: {  	[sflag:s23] =	ssyncset.done $0x0  }
0x55: {  	[sflag:s23] =	ssyncadd.s32 $0xFFFFE000  }
0x56: {  	[hbm4b:s7+s0] =	stream.linear.scatter [tilespmem:s21], [sflag:$0x5], $0x2000, $0x38;
	[tilespmem:$0x1D000] =	vst v63  }
0x57: {  	_ =	swait.ge [sflag:s24], $0x2000  }
0x58: {  	[sflag:s24] =	ssyncset.done $0x0  }
0x59: {  	s5 =	simm.s32 $0xCA00;
	[sflag:s24] =	ssyncadd.s32 $0xFFFFE000  }
0x5a: {  	[tilespmem:s19], [sflag:$0x2] =	stream.indirect.gather [hbm4b:s4+s17], $0x20, s5, s17, $0xb8;
	[tilespmem:$0x1D000] =	vst v63  }
0x5b: {  	_ =	swait.ge [sflag:s25], $0x2000  }
0x5c: {  	[sflag:s25] =	ssyncset.done $0x0  }
0x5d: {  	s30 =	simm.s32 $0xCB00;
	[sflag:s25] =	ssyncadd.s32 $0xFFFFE000  }
0x5e: {  	[tilespmem:s21], [sflag:$0x3] =	stream.indirect.gather [hbm4b:s4+s17], $0x20, s30, s17, $0xb8;
	[tilespmem:$0x1D000] =	vst v63  }
0x5f: {  	_ =	swait.ge [sflag:s22], $0x2000  }
0x60: {  	s31 =	sshrl.u32 s12, $0x3;
	[sflag:s22] =	ssyncset.done $0x0  }
0x61: {  	s0 =	sadd.s32 s2, s31;
	[sflag:s22] =	ssyncadd.s32 $0xFFFFE000  }
0x62: {  	[hbm4b:s0+s3] =	stream.linear.scatter [tilespmem:s19], [sflag:$0x4], $0x2000, $0x38;
	[tilespmem:$0x1D000] =	vst v63  }
0x63: {  	_ =	swait.ge [sflag:s23], $0x2000  }
0x64: {  	s1 =	simm.s32 $0xCC00;
	s29 =	sadd.s32 $0x0, s13;
	[sflag:s23] =	ssyncset.done $0x0  }
0x65: {  	s28 =	sadd.s32 $0x100000, s12;
	s0 =	simm.s32 $0x20000;
	[sflag:s23] =	ssyncadd.s32 $0xFFFFE000  }
.LBB2_6:
0x66: {  	[hbm4b:s29+s3] =	stream.linear.scatter [tilespmem:s21], [sflag:$0x5], $0x2000, $0x38;
	[tilespmem:$0x1D000] =	vst v63  }
0x67: {  	s29 =	smov.u32 s0  }
0x68: {  	p0 =	sne.s32 s0, $0xC40000;
	s0 =	sadd.s32 $0x20000, s0;
	_ =	swait.ge [sflag:s24], $0x2000  }
0x69: {  	[sflag:s24] =	ssyncset.done $0x0  }
0x6a: {  	[sflag:s24] =	ssyncadd.s32 $0xFFFFE000  }
0x6b: {  	[tilespmem:s19], [sflag:$0x2] =	stream.indirect.gather [hbm4b:s4+s17], $0x20, s1, s17, $0xb8;
	[tilespmem:$0x1D000] =	vst v63  }
0x6c: {  	_ =	swait.ge [sflag:s25], $0x2000  }
0x6d: {  	[sflag:s25] =	ssyncset.done $0x0  }
0x6e: {  	s30 =	sadd.s32 $0x100, s1;
	[sflag:s25] =	ssyncadd.s32 $0xFFFFE000  }
0x6f: {  	[tilespmem:s21], [sflag:$0x3] =	stream.indirect.gather [hbm4b:s4+s17], $0x20, s30, s17, $0xb8;
	[tilespmem:$0x1D000] =	vst v63  }
0x70: {  	_ =	swait.ge [sflag:s22], $0x2000  }
0x71: {  	s30 =	sshrl.u32 s28, $0x3;
	[sflag:s22] =	ssyncset.done $0x0  }
.Ltmp2:
0x72: {  	s30 =	sadd.s32 s2, s30;
	[sflag:s22] =	ssyncadd.s32 $0xFFFFE000;
	(pc) =	sbr.rel @p0 .LBB2_6-.Ltmp2, $4  }
0x73: {  	[hbm4b:s30+s3] =	stream.linear.scatter [tilespmem:s19], [sflag:$0x4], $0x2000, $0x38;
	[tilespmem:$0x1D000] =	vst v63  }
0x74: {  	_ =	swait.ge [sflag:s23], $0x2000  }
0x75: {  	s1 =	sadd.s32 $0x200, s1;
	[sflag:s23] =	ssyncset.done $0x0  }
0x76: {  	s29 =	sadd.s32 s29, s13;
	s28 =	sadd.s32 $0x100000, s28;
	[sflag:s23] =	ssyncadd.s32 $0xFFFFE000  }
0x77: {  	[hbm4b:s29+s3] =	stream.linear.scatter [tilespmem:s21], [sflag:$0x5], $0x2000, $0x38;
	[tilespmem:$0x1D000] =	vst v63  }
0x78: {  	_ =	swait.ge [sflag:s24], $0x2000  }
0x79: {  	[sflag:s24] =	ssyncset.done $0x0  }
0x7a: {  	[sflag:s24] =	ssyncadd.s32 $0xFFFFE000  }
0x7b: {  	_ =	swait.ge [sflag:s25], $0x2000  }
0x7c: {  	[sflag:s25] =	ssyncset.done $0x0  }
0x7d: {  	s28 =	simm.s32 $0x0;
	[sflag:s25] =	ssyncadd.s32 $0xFFFFE000  }
0x7e: {  	[tilespmem:s28], [sflag:$0x1] =	stream.linear.gather [hbm4b:s8+s28], $0xC800, $0x38;
	[tilespmem:$0x1D000] =	vst v63  }
0x7f: {  	_ =	swait.ge [sflag:s16], $0xC800  }
0x80: {  	[sflag:s16] =	ssyncset.done $0x0  }
0x81: {  	s29 =	simm.s32 $0xC820;
	s30 =	simm.s32 $0x0;
	[sflag:s16] =	ssyncadd.s32 $0xFFFF3800  }
.LBB2_8:
0x82: {  	v1 =	vmov s28  }
0x83: {  	v2 =	vmul.u32 $0xC8, v1  }
0x84: {  	v1 =	vmov s30  }
0x85: {  	v2 =	vadd.s32 v1, v2  }
0x86: {  	v2 =	vbroadcast v2, $0x0  }
0x87: {  	s0 =	simm.s32 $0x10  }
0x88: {  	v3 =	vmov s0;
	v2 =	vadd.s32 v0, v2  }
0x89: {  	v3 =	vmul.u32 $0xC8, v3;
	_ =	sdelay $0x1  }
0x8a: {  	v3 =	vadd.s32 v1, v3  }
0x8b: {  	v3 =	vbroadcast v3, $0x0  }
0x8c: {  	s1 =	simm.s32 $0x20;
	v2 =	vld.idx.msk [tilespmem:v2+s3+$0x0], $0xffff  }
0x8d: {  	v4 =	vmov s1;
	v3 =	vadd.s32 v0, v3  }
0x8e: {  	v4 =	vmul.u32 $0xC8, v4;
	_ =	sdelay $0x1  }
0x8f: {  	v4 =	vadd.s32 v1, v4  }
0x90: {  	[tilespmem:s29+$0xFFFFFFE0] =	vst v2;
	v2 =	vbroadcast v4, $0x0  }
0x91: {  	s5 =	simm.s32 $0x30;
	v3 =	vld.idx.msk [tilespmem:v3+s3+$0x0], $0xffff  }
0x92: {  	v4 =	vmov s5;
	v2 =	vadd.s32 v0, v2  }
0x93: {  	v4 =	vmul.u32 $0xC8, v4;
	_ =	sdelay $0x1  }
0x94: {  	v4 =	vadd.s32 v1, v4  }
0x95: {  	v4 =	vbroadcast v4, $0x0;
	[tilespmem:s29+$0xFFFFFFF0] =	vst v3  }
0x96: {  	v2 =	vld.idx.msk [tilespmem:v2+s3+$0x0], $0xffff  }
0x97: {  	s31 =	smov.u32 s29;
	s0 =	simm.s32 $0x0;
	s1 =	simm.s32 $0x40;
	v3 =	vadd.s32 v0, v4  }
.LBB2_9:
0x98: {  	v4 =	vmov s1;
	s0 =	sadd.s32 $0x4, s0  }
0x99: {  	v4 =	vmul.u32 $0xC8, v4;
	p0 =	slt.u32 s0, $0xC;
	_ =	sdelay $0x1  }
0x9a: {  	v4 =	vadd.s32 v1, v4;
	[tilespmem:s31+$0x0] =	vst v2  }
0x9b: {  	v2 =	vbroadcast v4, $0x0;
	v3 =	vld.idx.msk [tilespmem:v3+s3+$0x0], $0xffff;
	_ =	sdelay $0x1  }
0x9c: {  	s5 =	sadd.s32 $0x10, s1;
	v2 =	vadd.s32 v0, v2  }
0x9d: {  	v4 =	vmov s5  }
0x9e: {  	v4 =	vmul.u32 $0xC8, v4;
	_ =	sdelay $0x1  }
0x9f: {  	v4 =	vadd.s32 v1, v4;
	[tilespmem:s31+$0x10] =	vst v3  }
0xa0: {  	v3 =	vbroadcast v4, $0x0;
	v2 =	vld.idx.msk [tilespmem:v2+s3+$0x0], $0xffff;
	_ =	sdelay $0x1  }
0xa1: {  	s5 =	sadd.s32 $0x20, s1;
	v3 =	vadd.s32 v0, v3  }
0xa2: {  	v4 =	vmov s5  }
0xa3: {  	v4 =	vmul.u32 $0xC8, v4  }
0xa4: {  	s31 =	sadd.s32 $0x40, s31  }
0xa5: {  	[tilespmem:s31+$0xFFFFFFE0] =	vst v2;
	v2 =	vadd.s32 v1, v4  }
0xa6: {  	v3 =	vld.idx.msk [tilespmem:v3+s3+$0x0], $0xffff;
	v2 =	vbroadcast v2, $0x0;
	_ =	sdelay $0x1  }
0xa7: {  	s5 =	sadd.s32 $0x30, s1;
	v2 =	vadd.s32 v0, v2  }
0xa8: {  	v4 =	vmov s5  }
0xa9: {  	v4 =	vmul.u32 $0xC8, v4  }
.Ltmp3:
0xaa: {  	(pc) =	sbr.rel @p0 .LBB2_9-.Ltmp3, $3  }
0xab: {  	[tilespmem:s31+$0xFFFFFFF0] =	vst v3;
	v3 =	vadd.s32 v1, v4  }
0xac: {  	v2 =	vld.idx.msk [tilespmem:v2+s3+$0x0], $0xffff;
	v3 =	vbroadcast v3, $0x0;
	_ =	sdelay $0x1  }
0xad: {  	s1 =	sadd.s32 $0x40, s1;
	v3 =	vadd.s32 v0, v3  }
0xae: {  	_ =	sdelay $0x2  }
0xaf: {  	s30 =	sadd.s32 $0x1, s30;
	[tilespmem:s31+$0x0] =	vst v2  }
0xb0: {  	p0 =	sne.s32 s30, $0xC8;
	v1 =	vld.idx.msk [tilespmem:v3+s3+$0x0], $0xffff  }
.Ltmp4:
0xb1: {  	_ = 	snop;
	(pc) =	sbr.rel @p0 .LBB2_8-.Ltmp4, $2  }
0xb2: {  	_ =	sdelay $0x2  }
0xb3: {  	s29 =	sadd.s32 $0x100, s29;
	[tilespmem:s31+$0x10] =	vst v1  }
0xb4: {  	[tilespmem:s19], [sflag:$0x2] =	stream.indirect.gather [hbm4b:s4+s17], $0x20, s18, s17, $0xb8;
	[tilespmem:$0x1D000] =	vst v63  }
0xb5: {  	_ = 	snop  }
0xb6: {  	[tilespmem:s21], [sflag:$0x3] =	stream.indirect.gather [hbm4b:s4+s17], $0x20, s20, s17, $0xb8;
	[tilespmem:$0x1D000] =	vst v63  }
0xb7: {  	_ =	swait.ge [sflag:s22], $0x2000  }
0xb8: {  	[sflag:s22] =	ssyncset.done $0x0  }
0xb9: {  	s0 =	simm.s32 $0x0;
	[sflag:s22] =	ssyncadd.s32 $0xFFFFE000  }
0xba: {  	[hbm4b:s9+s0] =	stream.linear.scatter [tilespmem:s19], [sflag:$0x4], $0x2000, $0x38;
	[tilespmem:$0x1D000] =	vst v63  }
0xbb: {  	_ =	swait.ge [sflag:s23], $0x2000  }
0xbc: {  	[sflag:s23] =	ssyncset.done $0x0  }
0xbd: {  	[sflag:s23] =	ssyncadd.s32 $0xFFFFE000  }
0xbe: {  	[hbm4b:s10+s0] =	stream.linear.scatter [tilespmem:s21], [sflag:$0x5], $0x2000, $0x38;
	[tilespmem:$0x1D000] =	vst v63  }
0xbf: {  	_ =	swait.ge [sflag:s24], $0x2000  }
0xc0: {  	[sflag:s24] =	ssyncset.done $0x0  }
0xc1: {  	s29 =	simm.s32 $0xCA00;
	[sflag:s24] =	ssyncadd.s32 $0xFFFFE000  }
0xc2: {  	[tilespmem:s19], [sflag:$0x2] =	stream.indirect.gather [hbm4b:s4+s17], $0x20, s29, s17, $0xb8;
	[tilespmem:$0x1D000] =	vst v63  }
0xc3: {  	_ =	swait.ge [sflag:s25], $0x2000  }
0xc4: {  	[sflag:s25] =	ssyncset.done $0x0  }
0xc5: {  	s30 =	simm.s32 $0xCB00;
	[sflag:s25] =	ssyncadd.s32 $0xFFFFE000  }
0xc6: {  	[tilespmem:s21], [sflag:$0x3] =	stream.indirect.gather [hbm4b:s4+s17], $0x20, s30, s17, $0xb8;
	[tilespmem:$0x1D000] =	vst v63  }
0xc7: {  	_ =	swait.ge [sflag:s22], $0x2000  }
0xc8: {  	[sflag:s22] =	ssyncset.done $0x0  }
0xc9: {  	s31 =	sadd.s32 $0x0, s14;
	[sflag:s22] =	ssyncadd.s32 $0xFFFFE000  }
0xca: {  	[hbm4b:s31+s3] =	stream.linear.scatter [tilespmem:s19], [sflag:$0x4], $0x2000, $0x38;
	[tilespmem:$0x1D000] =	vst v63  }
0xcb: {  	_ =	swait.ge [sflag:s23], $0x2000  }
0xcc: {  	s28 =	sadd.s32 $0x0, s15;
	[sflag:s23] =	ssyncset.done $0x0  }
0xcd: {  	s1 =	simm.s32 $0xCC00;
	s0 =	simm.s32 $0x20000;
	[sflag:s23] =	ssyncadd.s32 $0xFFFFE000  }
.LBB2_12:
0xce: {  	[hbm4b:s28+s3] =	stream.linear.scatter [tilespmem:s21], [sflag:$0x5], $0x2000, $0x38;
	[tilespmem:$0x1D000] =	vst v63  }
0xcf: {  	s5 =	smov.u32 s0  }
0xd0: {  	p0 =	sne.s32 s0, $0xC40000;
	s0 =	sadd.s32 $0x20000, s0;
	_ =	swait.ge [sflag:s24], $0x2000  }
0xd1: {  	[sflag:s24] =	ssyncset.done $0x0  }
0xd2: {  	[sflag:s24] =	ssyncadd.s32 $0xFFFFE000  }
0xd3: {  	[tilespmem:s19], [sflag:$0x2] =	stream.indirect.gather [hbm4b:s4+s17], $0x20, s1, s17, $0xb8;
	[tilespmem:$0x1D000] =	vst v63  }
0xd4: {  	_ =	swait.ge [sflag:s25], $0x2000  }
0xd5: {  	[sflag:s25] =	ssyncset.done $0x0  }
0xd6: {  	s28 =	sadd.s32 $0x100, s1;
	[sflag:s25] =	ssyncadd.s32 $0xFFFFE000  }
0xd7: {  	[tilespmem:s21], [sflag:$0x3] =	stream.indirect.gather [hbm4b:s4+s17], $0x20, s28, s17, $0xb8;
	[tilespmem:$0x1D000] =	vst v63  }
0xd8: {  	_ =	swait.ge [sflag:s22], $0x2000  }
0xd9: {  	[sflag:s22] =	ssyncset.done $0x0  }
.Ltmp5:
0xda: {  	s28 =	sadd.s32 s5, s14;
	[sflag:s22] =	ssyncadd.s32 $0xFFFFE000;
	(pc) =	sbr.rel @p0 .LBB2_12-.Ltmp5, $4  }
0xdb: {  	[hbm4b:s28+s3] =	stream.linear.scatter [tilespmem:s19], [sflag:$0x4], $0x2000, $0x38;
	[tilespmem:$0x1D000] =	vst v63  }
0xdc: {  	_ =	swait.ge [sflag:s23], $0x2000  }
0xdd: {  	[sflag:s23] =	ssyncset.done $0x0  }
0xde: {  	s1 =	sadd.s32 $0x200, s1;
	s28 =	sadd.s32 s5, s15;
	[sflag:s23] =	ssyncadd.s32 $0xFFFFE000  }
0xdf: {  	[hbm4b:s28+s3] =	stream.linear.scatter [tilespmem:s21], [sflag:$0x5], $0x2000, $0x38;
	[tilespmem:$0x1D000] =	vst v63  }
0xe0: {  	s26 =	sadd.s32 $0x1, s26  }
0xe1: {  	_ =	swait.ge [sflag:s24], $0x2000;
	p0 =	sne.s32 s26, s11  }
.Ltmp6:
0xe2: {  	[sflag:s24] =	ssyncset.done $0x0;
	(pc) =	sbr.rel @p0 .LBB2_1-.Ltmp6, $4  }
0xe3: {  	[sflag:s24] =	ssyncadd.s32 $0xFFFFE000  }
0xe4: {  	_ =	swait.ge [sflag:s25], $0x2000  }
0xe5: {  	[sflag:s25] =	ssyncset.done $0x0  }
0xe6: {  	[sflag:s25] =	ssyncadd.s32 $0xFFFFE000  }
0xe7: {  	_ =	sfence.sel $0x180000  }
0xe8: {  	[bflag:$0x0] =	sbarrier.arrive $0xFFFF  }
0xe9: {  	_ =	strace $0x90000047  }
0xea: {  	s0 =	stileid.u32;
	[bflag:$0x2] =	sbarrier.arrive $0xFFFF  }
0xeb: {  	p0 =	sne.s32 s0, $0x0;
	s0 =	rddreg [dreg:$0x2]  }
0xec: {  	s0 =	sadd.s32 @!p0 $0x100000, s0  }
0xed: {  	[sflag:s0] =	ssyncadd.tile.s32 @!p0 $0x1;
	_ =	shalt  }
.Lfunc_end2:
_tile_overlayer_lowered:
.L_overlay_start_2:
0xee: {  	(tag) =	ssettag $0x2  }
0xef: {  	s0 =	rddreg [dreg:$0x0];
	s2 =	stileid.u32  }
0xf0: {  	s1 =	rddreg [dreg:$0x1];
	p0 =	sne.s32 s2, $0x0  }
0xf1: {  	s3 =	rddreg [dreg:$0x2];
	[bflag:$0x3] =	sbarrier.arrive $0xFFFF;
	s2 =	simm.s32 @!p0 $0x1C06  }
0xf2: {  	[timem:s3], [sflag:s2] =	dma.local @!p0 [hbm:s0], s1  }
0xf3: {  	s0 =	simm.s32 @!p0 $0x6  }
0xf4: {  	_ =	swait.ge @!p0 [sflag:s0], s1  }
0xf5: {  	s1 =	ssub.s32 @!p0 $0x0, s1;
	[sflag:s0] =	ssyncset.done @!p0 $0x0  }
0xf6: {  	[sflag:s0] =	ssyncadd.s32 @!p0 s1  }
0xf7: {  	[bflag:$0x3] =	sbarrier.arrive $0xFFFF  }
0xf8: {  	_ =	shalt  }

// kernel: sparse-core-data-format-call.cloned.1.call-start
scs
called_computation_lowered:
.L_overlay_start_0:
0x0: {  	s2 =	sld [smem:$0x3FD9]  }
0x1: {  	s3 =	sld [smem:$0x3FFE];
	_ =	sdelay $0x1  }
0x2: {  	s1 =	srdreg.scid  }
0x3: {  	s0 =	sand.u32 $0x1, s1  }
0x4: {  	s18 =	sshll.u32 s0, $0xA;
	s2 =	sadd.s32 s3, s2  }
0x5: {  	s2 =	sadd.s32 s2, s18  }
0x6: {  	[smem:$0x3FC6] =	sst s2  }
0x7: {  	_ = 	snop  }
0x8: {  	s2 =	sld [smem:$0x3FD0];
	(tm) =	ssettm $0x1  }
0x9: {  	s19 =	sld [smem:$0x3FFB];
	_ =	sdelay $0x3  }
0xa: {  	_ =	strace s19  }
0xb: {  	s3 =	sld [smem:$0x3FFC];
	_ =	sdelay $0x3  }
0xc: {  	_ =	strace s3  }
0xd: {  	s3 =	sld [smem:$0x3FFD];
	_ =	sdelay $0x3  }
0xe: {  	_ =	strace s3  }
0xf: {  	_ =	strace $0x8FFFFFFF  }
0x10: {  	s20 =	sld [smem:$0x3FDB];
	_ =	sdelay $0x1  }
0x11: {  	s4 =	simm.s32 $_scs_section_size  }
0x12: {  	s5 =	simm.s32 $_size__tile_overlayer_lowered;
	s6 =	simm.s32 $_tile_overlayer_lowered  }
0x13: {  	s23 =	simm.s32 $0x1BFF;
	s22 =	sshll.u32 s6, $0x1;
	s3 =	sadd.s32 s4, s20  }
0x14: {  	s7 =	simm.s32 $0x0;
	s21 =	sshll.u32 s5, $0x1;
	s5 =	sadd.s32 s22, s3  }
0x15: {  	[timem:s7], [sflag:s23] =	dma.local [hbm:s5], s21  }
0x16: {  	_ =	swait.ge [sflag:s23], s21  }
0x17: {  	s4 =	ssub.s32 $0x0, s21;
	[sflag:s23] =	ssyncset.done $0x0  }
0x18: {  	[sflag:s23] =	ssyncadd.s32 s4;
	_ =	sdelay $0x1  }
0x19: {  	s24 =	simm.s32 $0x1B8B  }
0x1a: {  	_ =	swait.ge [sflag:s24], $0x1  }
0x1b: {  	[sflag:s24] =	ssyncset.done $0x0  }
0x1c: {  	s26 =	simm.s32 $0x1B8E;
	s25 =	sld [smem:$0x3FFE];
	[sflag:s24] =	ssyncadd.s32 $0xFFFFFFFF  }
0x1d: {  	s27 =	simm.s32 $execute0_lowered;
	[smem:$0x3FD2] =	sst s26  }
0x1e: {  	s5 =	sshll.u32 s27, $0x1;
	_ =	strace $0x80000049;
	[dreg:$0x1] =	wrdreg $0xFFFFFFFF  }
0x1f: {  	s28 =	simm.s32 $_size_execute0_lowered;
	s3 =	sadd.s32 s3, s5;
	[dreg:$0x0] =	wrdreg $0x0  }
0x20: {  	s5 =	sshll.u32 s28, $0x1;
	[dreg:$0x2] =	wrdreg s3  }
0x21: {  	[dreg:$0x3] =	wrdreg s5  }
0x22: {  	[dreg:$0x4] =	wrdreg $0xC0  }
0x23: {  	_ =	task [dreg:s7], $0x5FFFF  }
0x24: {  	[dreg:$0x1] =	wrdreg $0xFFFFFFFF  }
0x25: {  	[dreg:$0x0] =	wrdreg $0x60  }
0x26: {  	[dreg:$0x2] =	wrdreg s25  }
0x27: {  	[dreg:$0x3] =	wrdreg s2  }
0x28: {  	[dreg:$0x4] =	wrdreg $0x9  }
0x29: {  	_ =	task.clear_ibuf [dreg:s7], $0x5FFFF;
	_ =	strace $0x90000049  }
0x2a: {  	s29 =	simm.s32 $0x9;
	_ =	strace $0x8000004B  }
0x2b: {  	_ =	swait.ge [sflag:s29], $0x1  }
0x2c: {  	[sflag:s29] =	ssyncadd.s32 $0xFFFFFFFF  }
0x2d: {  	_ =	strace $0x9000004B  }
0x2e: {  	_ =	sfence  }
0x2f: {  	s30 =	sld [smem:$0x0];
	_ =	sdelay $0x2  }
0x30: {  	s31 =	sshll.u32 s1, $0xD;
	s1 =	sshrl.u32 s1, $0x2  }
0x31: {  	s3 =	sand.u32 $0x4000, s31;
	s1 =	sadd.s32 s1, s30  }
0x32: {  	s0 =	sor.u32 s3, s0;
	s1 =	sshll.u32 s1, $0x11  }
0x33: {  	s0 =	sor.u32 s1, s0  }
0x34: {  	s0 =	sadd.s32 $0x8F2B, s0  }
0x35: {  	[sflag:s0] =	ssyncadd.remote.s32 $0x1  }
0x36: {  	_ =	sfence.sel $0xFFFF  }
0x37: {  	[dreg:$0x0] =	wrdreg $0xFFFFFFFF;
	(pc) =	sbr.abs _section_cstart, $3  }
0x38: {  	[dreg:$0x1] =	wrdreg $0xFFFFFFFF  }
0x39: {  	_ =	task.clear_ibuf [dreg:s7], $0x2FFFF;
	_ =	strace $0x9FFFFFFF  }
0x3a: {  	(tm) =	ssettm $0x7FFFFFFF  }
0x3b: {  	_ =	shalt  }
tec
execute0_lowered:
.L_overlay_start_1:
0x0: {  	(tag) =	ssettag $0x1  }
0x1: {  	s0 =	srdreg.scid  }
0x2: {  	s1 =	sshll.u32 s0, $0x4  }
0x3: {  	s9 =	rddreg [dreg:$0x0];
	s0 =	stileid.u32;
	s1 =	sand.u32 $0x10, s1  }
0x4: {  	s3 =	rddreg [dreg:$0x1];
	s5 =	simm.s32 $0x1;
	s1 =	sor.u32 s0, s1  }
0x5: {  	s7 =	simm.s32 $0x2;
	s15 =	simm.s32 $0x0;
	s2 =	sshll.u32 s1, $0x7  }
0x6: {  	s11 =	simm.s32 $0x20000;
	s16 =	simm.s32 $0x0;
	s4 =	ssub.s32 $0x4000, s2  }
0x7: {  	s13 =	simm.s32 $0x0;
	s14 =	simm.s32 $0x0;
	s31 =	sand.u32 $0xF80, s4  }
0x8: {  	s8 =	sadd.s32 $0x80800, s9;
	s1 =	rddreg [dreg:$0x2];
	p0 =	sne.s32 s31, $0x0  }
.Ltmp0:
0x9: {  	s6 =	sshrl.u32 s4, $0xC;
	s5 =	simm.s32 @!p0 $0x0;
	(pc) =	sbr.rel .LBB1_1-.Ltmp0, $4  }
0xa: {  	_ =	strace $0x8000004A;
	s4 =	simm.s32 $0x1;
	s5 =	sadd.s32 s5, s6  }
0xb: {  	s12 =	smov.u32 s2;
	[sflag:s4] =	ssyncpa.u1 $0x0;
	s5 =	smul.u32 $0x32, s5  }
0xc: {  	[sflag:s7] =	ssyncpa.u1 $0x0;
	s7 =	sadd.s32 $0x40800, s9;
	p0 =	por $0x0, $0x0  }
0xd: {  	s6 =	sadd.s32 $0x800, s9;
	s9 =	sadd.s32 $0xC0800, s9;
	s10 =	sor.u32 $0x1, s5  }
.LBB1_7:
0xe: {  	s17 =	sadd.s32 $0x1000, s12  }
0xf: {  	s15 =	sadd.s32 $0x4, s13;
	s19 =	smov.u32 s13;
	p2 =	sgt.s32 s17, $0x3FFF  }
0x10: {  	s19 =	smov.u32 @p2 s15  }
0x11: {  	s17 =	smov.u32 @p2 s2;
	p2 =	sgt.s32 s19, $0xC7  }
0x12: {  	s19 =	simm.s32 @p2 $0x0;
	p2 =	sne.s32 s14, s10  }
.Ltmp1:
0x13: {  	p1 =	slt.u32 s14, $0x2;
	(pc) =	sbr.rel @!p2 .LBB1_8-.Ltmp1, $4  }
0x14: {  	s18 =	simm.s32 @!p1 $0x2  }
0x15: {  	s16 =	smov.u32 s13;
	p0 =	por !p0, !p0;
	_ =	swait.ge @!p1 [sflag:s18], $0x4000  }
0x16: {  	s15 =	smov.u32 s12;
	[sflag:s18] =	ssyncset.done @!p1 $0x0;
	s12 =	smov.u32 s17  }
0x17: {  	s14 =	sadd.s32 $0x1, s14;
	[sflag:s18] =	ssyncadd.s32 @!p1 $0xFFFFC000;
	s13 =	smov.u32 s19  }
.LBB1_1:
0x18: {  	p1 =	sge.u32 s14, s5  }
0x19: {  	s17 =	sxor.u32 @!p1 $0xFFFFFFFF, s14  }
0x1a: {  	s18 =	sshll.u32 @!p1 s13, $0x12;
	s19 =	sshll.u32 @!p1 s12, $0x4;
	s21 =	simm.s32 @!p1 $0x20  }
0x1b: {  	s17 =	sshll.u32 @!p1 s17, $0xE;
	s19 =	sand.u32 @!p1 $0x3FFF0, s19;
	s20 =	sadd.s32 @!p1 s6, s18  }
0x1c: {  	s22 =	simm.s32 @!p1 $0x80;
	s17 =	sand.u32 @!p1 $0x4000, s17;
	s20 =	sadd.s32 @!p1 s19, s20  }
0x1d: {  	[tilespmem:s17], [sflag:$0x1] =	stream.strided.gather @!p1 [hbm4b:s20+s21], $0x1000, s22, s21, $0x38;
	[tilespmem:$0x10100] =	vst v63  }
0x1e: {  	s20 =	sadd.s32 @!p1 s18, s7  }
0x1f: {  	s23 =	sor.u32 @!p1 $0x1000, s17;
	s20 =	sadd.s32 @!p1 s19, s20  }
0x20: {  	[tilespmem:s23], [sflag:$0x1] =	stream.strided.gather @!p1 [hbm4b:s20+s21], $0x1000, s22, s21, $0x38;
	[tilespmem:$0x10100] =	vst v63  }
0x21: {  	s20 =	sadd.s32 @!p1 s18, s8  }
0x22: {  	s23 =	sor.u32 @!p1 $0x2000, s17;
	s18 =	sadd.s32 @!p1 s18, s9;
	s20 =	sadd.s32 @!p1 s19, s20  }
0x23: {  	[tilespmem:s23], [sflag:$0x1] =	stream.strided.gather @!p1 [hbm4b:s20+s21], $0x1000, s22, s21, $0x38;
	[tilespmem:$0x10100] =	vst v63  }
0x24: {  	s31 =	sadd.s32 $0xFFFFFFFF, s14;
	s17 =	sor.u32 @!p1 $0x3000, s17;
	s18 =	sadd.s32 @!p1 s19, s18  }
0x25: {  	[tilespmem:s17], [sflag:$0x1] =	stream.strided.gather @!p1 [hbm4b:s18+s21], $0x1000, s22, s21, $0x38;
	[tilespmem:$0x10100] =	vst v63  }
0x26: {  	p1 =	sge.u32 s31, s5  }
.Ltmp2:
0x27: {  	_ = 	snop;
	(pc) =	sbr.rel @p1 .LBB1_7-.Ltmp2, $1  }
0x28: {  	_ =	sdelay $0x3  }
0x29: {  	s17 =	simm.s32 $0x1;
	s19 =	sand.u32 $0x1, s14  }
0x2a: {  	_ =	swait.ge [sflag:s4], $0x4000;
	s17 =	simm.s32 @!p0 $0x0;
	s20 =	smul.u32 $0x10200, s19  }
0x2b: {  	[sflag:s4] =	ssyncset.done $0x0;
	s18 =	smul.u32 $0x10200, s17  }
0x2c: {  	s17 =	sshll.u32 s17, $0xE;
	[sflag:s4] =	ssyncadd.s32 $0xFFFFC000  }
0x2d: {  	s19 =	sor.u32 $0x10, s17;
	s31 =	sshrl.u32 s20, $0x2;
	s18 =	sshrl.u32 s18, $0x2  }
0x2e: {  	s20 =	simm.s32 $0x0;
	s17 =	sor.u32 $0x8000, s31;
	s18 =	sor.u32 $0x8000, s18  }
.LBB1_3:
0x2f: {  	v1 =	vld [tilespmem:s19+$0x0]  }
0x30: {  	v0 =	vld [tilespmem:s19+$0xFFFFFFF0];
	_ =	sdelay $0x2  }
0x31: {  	s23 =	sadd.s32 $0x0, s18  }
0x32: {  	s21 =	simm.s32 $0x4;
	s22 =	sadd.s32 $0x20, s19;
	[tilespmem:s23+$0x810 ss:$0x81] =	vst.msk $0xffff, v1  }
.LBB1_4:
0x33: {  	v1 =	vld [tilespmem:s22+$0x0];
	p1 =	sne.s32 s21, $0x1FC;
	[tilespmem:s23+$0x0 ss:$0x81] =	vst.msk $0xffff, v0;
	s23 =	smov.u32 s21;
	s21 =	sadd.s32 $0x4, s21  }
.Ltmp3:
0x34: {  	v0 =	vld [tilespmem:s22+$0xFFFFFFF0];
	(pc) =	sbr.rel @p1 .LBB1_4-.Ltmp3, $4  }
0x35: {  	_ = 	snop  }
0x36: {  	s23 =	sshra.s32 s23, $0x2  }
0x37: {  	s23 =	sadd.s32 s23, s18  }
0x38: {  	s22 =	sadd.s32 $0x20, s22;
	[tilespmem:s23+$0x810 ss:$0x81] =	vst.msk $0xffff, v1  }
0x39: {  	s20 =	sadd.s32 $0x1, s20  }
0x3a: {  	p1 =	sne.s32 s20, $0x4  }
.Ltmp4:
0x3b: {  	_ = 	snop;
	(pc) =	sbr.rel @p1 .LBB1_3-.Ltmp4, $2  }
0x3c: {  	_ =	sdelay $0x2  }
0x3d: {  	[tilespmem:s23+$0x0 ss:$0x81] =	vst.msk $0xffff, v0;
	s18 =	sadd.s32 $0x1020, s18;
	s19 =	sadd.s32 $0x1000, s19  }
0x3e: {  	s18 =	sshll.u32 s15, $0x3;
	s19 =	sand.u32 $0x78, s15;
	s16 =	sshll.u32 s16, $0x10  }
.Ltmp5:
0x3f: {  	s30 =	sand.u32 $0xF800, s15;
	s18 =	sand.u32 $0x3C00, s18;
	(pc) =	sbr.rel .LBB1_7-.Ltmp5, $4  }
0x40: {  	s31 =	sand.u32 $0x7, s15;
	s16 =	sadd.s32 s3, s16;
	s18 =	sor.u32 s19, s18  }
0x41: {  	s15 =	sshll.u32 s31, $0x12;
	s16 =	sadd.s32 s30, s16;
	s18 =	sshrl.u32 s18, $0x3  }
0x42: {  	s15 =	sor.u32 $0x400, s15;
	s16 =	sadd.s32 s18, s16  }
0x43: {  	[hbm4b:s16+s15] =	stream.strided.scatter [tilespmem:s17], [sflag:$0x2], $0x4000, s11, s15, $0x20;
	[tilespmem:$0x10100] =	vst v63  }
.LBB1_8:
0x44: {  	_ =	sfence.sel $0x180000  }
0x45: {  	s2 =	simm.s32 $0x1;
	[bflag:$0x0] =	sbarrier.arrive $0xFFFF  }
0x46: {  	s31 =	simm.s32 $0x2;
	[sflag:s2] =	ssyncpa.u1 $0x1  }
0x47: {  	[sflag:s31] =	ssyncpa.u1 $0x1  }
0x48: {  	p0 =	sne.s32 s0, $0x0;
	_ =	strace $0x9000004A  }
0x49: {  	s0 =	sadd.s32 @!p0 $0x100000, s1;
	[bflag:$0x2] =	sbarrier.arrive $0xFFFF  }
0x4a: {  	[sflag:s0] =	ssyncadd.tile.s32 @!p0 $0x1;
	_ =	shalt  }
.Lfunc_end1:
_tile_overlayer_lowered:
.L_overlay_start_2:
0x4b: {  	(tag) =	ssettag $0x2  }
0x4c: {  	s0 =	rddreg [dreg:$0x0];
	s2 =	stileid.u32  }
0x4d: {  	s1 =	rddreg [dreg:$0x1];
	p0 =	sne.s32 s2, $0x0  }
0x4e: {  	s3 =	rddreg [dreg:$0x2];
	[bflag:$0x3] =	sbarrier.arrive $0xFFFF;
	s2 =	simm.s32 @!p0 $0x1C01  }
0x4f: {  	[timem:s3], [sflag:s2] =	dma.local @!p0 [hbm:s0], s1  }
0x50: {  	s0 =	simm.s32 @!p0 $0x1  }
0x51: {  	_ =	swait.ge @!p0 [sflag:s0], s1  }
0x52: {  	s1 =	ssub.s32 @!p0 $0x0, s1;
	[sflag:s0] =	ssyncset.done @!p0 $0x0  }
0x53: {  	[sflag:s0] =	ssyncadd.s32 @!p0 s1  }
0x54: {  	[bflag:$0x3] =	sbarrier.arrive $0xFFFF  }
0x55: {  	_ =	shalt  }

</sc_bundles>
